<compile_context>
chip_gen: v7x
topology: tpu7x:2x2x1
jax: 0.10.2.dev20260603
libtpu: 0.0.44.dev20260713+nightly
codegen_flags: <defaults>
</compile_context>

<pallas_src>
import functools

import jax
import jax.numpy as jnp
from jax import lax
from jax.experimental import pallas as pl
from jax.experimental.pallas import tpu as pltpu
from jax.experimental.pallas import tpu_sc as plsc

_N_H = 8
_N = 64
_NUM_CLS = 117
_NUM_OBJ = 80
_HUMAN = 49
_DIM = 300
_PAIRS = _N_H * _N - _N_H
_DEPTH = 16


def _l2n(x):
    return x / jnp.maximum(jnp.sqrt(jnp.sum(x * x, axis=-1, keepdims=True)),
                           1e-12)


def _prep_body(lab_ref, ent_ref, rel_ref, nv_ref, oh_ref,
               hp_o, rn_o, wn_o, tp_o, s_o):
    lab = jnp.where(lax.broadcasted_iota(jnp.int32, (_N, 1), 0) < _N_H,
                    _HUMAN, lab_ref[...])
    oh64 = (lab == lax.broadcasted_iota(jnp.int32, (_N, _NUM_OBJ), 1)
            ).astype(jnp.float32)
    ent = ent_ref[...]
    tn = _l2n(jnp.dot(oh64, ent, preferred_element_type=jnp.float32))
    hn = _l2n(ent[_HUMAN:_HUMAN + 1, :])
    wn = _l2n(nv_ref[...])
    rn = _l2n(rel_ref[...])
    hp = hn - jnp.sum(hn * wn, axis=-1, keepdims=True) * wn
    hp_o[...] = hp
    rn_o[...] = rn
    wn_o[...] = wn
    d = lax.dot_general(tn, wn, (((1,), (1,)), ((), ())),
                        preferred_element_type=jnp.float32)
    tp = tn[:, None, :] - d[:, :, None] * wn[None, :, :]
    tp_o[...] = tp
    diff = (hp + rn)[None, :, :] - tp
    s = jnp.sqrt(jnp.sum(diff * diff, axis=-1))
    s_o[...] = jnp.dot(oh_ref[...], s, preferred_element_type=jnp.float32)


def _prep(box_labels, ent_emb, rel_emb, norm_vec, oh504):
    small = jax.ShapeDtypeStruct((_NUM_CLS, _DIM), jnp.float32)
    return pl.pallas_call(
        _prep_body,
        out_shape=(small, small, small,
                   jax.ShapeDtypeStruct((_N, _NUM_CLS, _DIM), jnp.float32),
                   jax.ShapeDtypeStruct((_PAIRS, _NUM_CLS), jnp.float32)),
    )(box_labels.reshape(_N, 1), ent_emb, rel_emb, norm_vec, oh504)


_BIG = jax.ShapeDtypeStruct((_PAIRS, _NUM_CLS, _DIM), jnp.float32)


def _t_scatter(buf, y, t_out, sem):
    def fire(x, c):
        j = jnp.where(y < x, y, y - 1)

        @pl.when(x != y)
        def _():
            pltpu.async_copy(buf, t_out.at[63 * x + j], sem)
        return c

    lax.fori_loop(0, _N_H, fire, 0)

    def drain(x, c):
        j = jnp.where(y < x, y, y - 1)

        @pl.when(x != y)
        def _():
            pltpu.make_async_copy(buf, t_out.at[63 * x + j], sem).wait()
        return c

    lax.fori_loop(0, _N_H, drain, 0)


@functools.partial(
    pl.kernel,
    out_type=[_BIG, _BIG, _BIG, _BIG],
    mesh=plsc.VectorSubcoreMesh(core_axis_name="c", subcore_axis_name="s"),
    compiler_params=pltpu.CompilerParams(use_tc_tiling_on_sc=True),
    scratch_types=[
        pltpu.VMEM((_NUM_CLS, _DIM), jnp.float32),
        pltpu.VMEM((_NUM_CLS, _DIM), jnp.float32),
        pltpu.SemaphoreType.DMA,
        pltpu.SemaphoreType.DMA,
    ],
)
def _expand(hp_hbm, rn_hbm, wn_hbm, tp_hbm,
            h_out, r_out, w_out, t_out, tab_v, aux_v, sem, lsem):
    cid = lax.axis_index("c")
    sid = lax.axis_index("s")
    wid = sid * 2 + cid
    y0 = 2 * wid
    y1 = y0 + 1

    pltpu.async_copy(tp_hbm.at[y0], aux_v, lsem)

    outs = (h_out, r_out, w_out)
    tabs = (hp_hbm, rn_hbm, wn_hbm)
    bases = (0, 11, 22)
    counts = (11, 11, 10)

    for m in range(3):
        @pl.when(jnp.logical_and(wid >= bases[m], wid < bases[m] + counts[m]))
        def _bcast(m=m):
            pltpu.sync_copy(tabs[m], tab_v)
            idx = wid - bases[m]
            ra = idx * _PAIRS // counts[m]
            rb = (idx + 1) * _PAIRS // counts[m]

            def fire(r, c):
                pltpu.async_copy(tab_v, outs[m].at[r], sem)

                @pl.when(r - ra >= _DEPTH)
                def _():
                    pltpu.make_async_copy(tab_v, outs[m].at[r - _DEPTH],
                                          sem).wait()
                return c

            lax.fori_loop(ra, rb, fire, 0)

            def drain(r, c):
                pltpu.make_async_copy(tab_v, outs[m].at[r], sem).wait()
                return c

            lax.fori_loop(jnp.maximum(ra, rb - _DEPTH), rb, drain, 0)

    pltpu.make_async_copy(tp_hbm.at[y0], aux_v, lsem).wait()
    _t_scatter(aux_v, y0, t_out, sem)
    pltpu.sync_copy(tp_hbm.at[y1], tab_v)
    _t_scatter(tab_v, y1, t_out, sem)


def _static_onehot():
    import numpy as np
    ys = np.array([j + (1 if j >= x else 0)
                   for x in range(_N_H) for j in range(_N - 1)], np.int32)
    return (ys[:, None] == np.arange(_N)[None, :]).astype(np.float32)


_OH504 = _static_onehot()


def kernel(box_labels, ent_emb, rel_emb, norm_vec):
    hp, rn, wn, tp, scores = _prep(box_labels, ent_emb, rel_emb, norm_vec,
                                   jnp.asarray(_OH504))
    h_keep, r_keep, w_keep, t_keep = _expand(hp, rn, wn, tp)
    return (h_keep, r_keep, w_keep, t_keep, scores)

# --- scband reference (transcript-rebuilt; emitter-appended) ---
"""Pipeline reference for scband-graph-head-17806934409943 (READ-ONLY COPY).

The authoritative reference and input builder live on the scoring server;
editing this copy changes nothing except your own understanding.
"""

import jax, jax.numpy as jnp
import numpy as np

N_H = 8
N = 64
NUM_CLS = 117
NUM_OBJ = 80
HUMAN_IDX = 49
DIM = 300
P_NORM = 2

_xg, _yg = np.meshgrid(np.arange(N_H), np.arange(N), indexing='ij')
KEEP = np.nonzero((_xg != _yg).ravel())[0]


def setup_inputs(seed: int = 0) -> dict:
    key = jax.random.key(seed)
    k1, k2, k3, k4 = jax.random.split(key, 4)
    box_labels = jax.random.randint(k1, (N,), 0, NUM_OBJ, dtype=jnp.int32)
    ent_emb = jax.random.normal(k2, (NUM_OBJ, DIM), dtype=jnp.float32)
    rel_emb = jax.random.normal(k3, (NUM_CLS, DIM), dtype=jnp.float32)
    norm_vec = jax.random.normal(k4, (NUM_CLS, DIM), dtype=jnp.float32)
    return {"box_labels": box_labels, "ent_emb": ent_emb, "rel_emb": rel_emb, "norm_vec": norm_vec}


def _l2norm(x):
    return x / jnp.maximum(jnp.linalg.norm(x, axis=-1, keepdims=True), 1e-12)


def _transfer(e, w):
    # TransH hyperplane projection: e - (e . w_r) w_r
    return e - jnp.sum(e * w, axis=-1, keepdims=True) * w


def reference(box_labels, ent_emb, rel_emb, norm_vec):
    # Human detections permuted to the top, as required by the torch module
    labels = box_labels.at[:N_H].set(HUMAN_IDX)
    # Build (head, relation, tail) triples exactly as transH_head.forward does
    relations = jnp.tile(jnp.arange(NUM_CLS, dtype=jnp.int32), N_H * N)
    heads = jnp.full((N_H * N * NUM_CLS,), HUMAN_IDX, dtype=jnp.int32)
    tails = jnp.tile(jnp.repeat(labels, NUM_CLS), N_H)
    # Embedding lookups (gathers)
    h = jnp.take(ent_emb, heads, axis=0)
    t = jnp.take(ent_emb, tails, axis=0)
    r = jnp.take(rel_emb, relations, axis=0)
    w = _l2norm(jnp.take(norm_vec, relations, axis=0))
    # norm_flag=True -> L2-normalize h, r, t
    h = _l2norm(h)
    r = _l2norm(r)
    t = _l2norm(t)
    h_p = _transfer(h, w)
    t_p = _transfer(t, w)
    score = jnp.linalg.norm(h_p + r - t_p, ord=P_NORM, axis=-1)
    # Keep valid human-object pairs (x != y), matching the torch code
    h_keep = h_p.reshape(N_H * N, NUM_CLS, DIM)[KEEP]
    r_keep = r.reshape(N_H * N, NUM_CLS, DIM)[KEEP]
    w_keep = w.reshape(N_H * N, NUM_CLS, DIM)[KEEP]
    t_keep = t_p.reshape(N_H * N, NUM_CLS, DIM)[KEEP]
    scores_keep = score.reshape(N_H * N, NUM_CLS)[KEEP]
    return (h_keep, r_keep, w_keep, t_keep, scores_keep)

if __name__ == "__main__":
    import jax
    _d = setup_inputs()
    print(jax.jit(kernel)(*tuple(_d.values())))

</pallas_src>

<mosaic_0001>
#map = affine_map<(d0, d1) -> (0, 0)>
#map1 = affine_map<(d0, d1) -> (0, 0, 0)>
module attributes {stable_mosaic.version = 14 : i64} {
  func.func @_expand(%arg0: i32, %arg1: i32, %arg2: memref<117x300xf32, #tpu.memory_space<hbm>>, %arg3: memref<117x300xf32, #tpu.memory_space<hbm>>, %arg4: memref<117x300xf32, #tpu.memory_space<hbm>>, %arg5: memref<64x117x300xf32, #tpu.memory_space<hbm>>, %arg6: memref<504x117x300xf32, #tpu.memory_space<hbm>>, %arg7: memref<504x117x300xf32, #tpu.memory_space<hbm>>, %arg8: memref<504x117x300xf32, #tpu.memory_space<hbm>>, %arg9: memref<504x117x300xf32, #tpu.memory_space<hbm>>, %arg10: memref<117x300xf32, #tpu.memory_space<vmem>>, %arg11: memref<117x300xf32, #tpu.memory_space<vmem>>, %arg12: memref<!tpu.dma_semaphore, #tpu.memory_space<semaphore_mem>>, %arg13: memref<!tpu.dma_semaphore, #tpu.memory_space<semaphore_mem>>) attributes {dimension_semantics = [#tpu.dimension_semantics<core_parallel>, #tpu.dimension_semantics<subcore_parallel>], iteration_bounds = array<i64: 2, 16>, scalar_prefetch = 0 : i64, scratch_operands = 4 : i64, tpu.core_type = #tpu.core_type<sc_vector_subcore>, window_params = [{transform_indices = #map}, {transform_indices = #map}, {transform_indices = #map}, {transform_indices = #map1}, {transform_indices = #map1}, {transform_indices = #map1}, {transform_indices = #map1}, {transform_indices = #map1}]} {
    %mul3A = arith.constant 2 : i32
    %mul3A_0 = arith.muli %arg1, %mul3A : i32
    %add3A = arith.addi %mul3A_0, %arg0 : i32
    %mul3A_1 = arith.constant 2 : i32
    %mul3A_2 = arith.muli %mul3A_1, %add3A : i32
    %add3A_3 = arith.constant 1 : i32
    %add3A_4 = arith.addi %mul3A_2, %add3A_3 : i32
    %dma_start3A = arith.constant 0 : i32
    %dma_start3A_5 = arith.constant 0 : i32
    %dma_start3A_6 = tpu.memref_slice %arg5[%mul3A_2, %dma_start3A, %dma_start3A_5] : memref<64x117x300xf32, #tpu.memory_space<hbm>> -> memref<1x117x300xf32, #tpu.memory_space<hbm>>
    %dma_start3A_7 = tpu.memref_squeeze %dma_start3A_6 : memref<1x117x300xf32, #tpu.memory_space<hbm>> -> memref<117x300xf32, #tpu.memory_space<hbm>>
    %dma_start3A_8 = arith.constant 0 : i32
    %dma_start3A_9 = arith.constant 0 : i32
    %dma_start3A_10 = tpu.memref_slice %arg5[%mul3A_2, %dma_start3A_8, %dma_start3A_9] : memref<64x117x300xf32, #tpu.memory_space<hbm>> -> memref<1x117x300xf32, #tpu.memory_space<hbm>>
    %dma_start3A_11 = tpu.memref_squeeze %dma_start3A_10 : memref<1x117x300xf32, #tpu.memory_space<hbm>> -> memref<117x300xf32, #tpu.memory_space<hbm>>
    tpu.enqueue_dma source(%dma_start3A_11 : memref<117x300xf32, #tpu.memory_space<hbm>>) target(%arg11 : memref<117x300xf32, #tpu.memory_space<vmem>>) target_semaphore(%arg13 : memref<!tpu.dma_semaphore, #tpu.memory_space<semaphore_mem>>)
    %ge3A = arith.constant 0 : i32
    %ge3A_12 = arith.cmpi sge, %add3A, %ge3A : i32
    %lt3A = arith.constant 11 : i32
    %lt3A_13 = arith.cmpi slt, %add3A, %lt3A : i32
    %and3A = arith.andi %ge3A_12, %lt3A_13 : i1
    %convert_element_type3A = arith.extui %and3A : i1 to i32
    %cond3A = arith.constant 0 : i32
    %cond3A_14 = arith.cmpi ne, %convert_element_type3A, %cond3A : i32
    scf.if %cond3A_14 {
      "tpu.region"() ({
        %run_scoped3A = tpu.sem_alloc : memref<!tpu.dma_semaphore, #tpu.memory_space<semaphore_mem>>
        tpu.enqueue_dma source(%arg2 : memref<117x300xf32, #tpu.memory_space<hbm>>) target(%arg10 : memref<117x300xf32, #tpu.memory_space<vmem>>) target_semaphore(%run_scoped3A : memref<!tpu.dma_semaphore, #tpu.memory_space<semaphore_mem>>)
        tpu.wait_dma2 semaphore(%run_scoped3A : memref<!tpu.dma_semaphore, #tpu.memory_space<semaphore_mem>>) src(%arg2 : memref<117x300xf32, #tpu.memory_space<hbm>>) dst(%arg10 : memref<117x300xf32, #tpu.memory_space<vmem>>)
        tpu.yield
      }) : () -> ()
      %sub3A = arith.constant 0 : i32
      %sub3A_61 = arith.subi %add3A, %sub3A : i32
      %mul3A_62 = arith.constant 504 : i32
      %mul3A_63 = arith.muli %sub3A_61, %mul3A_62 : i32
      %jit3A = arith.constant 11 : i32
      %div3A = arith.divsi %mul3A_63, %jit3A : i32
      %sign3A = arith.constant 0 : i32
      %sign3A_64 = arith.cmpi sgt, %mul3A_63, %sign3A : i32
      %sign3A_65 = arith.extui %sign3A_64 : i1 to i32
      %sign3A_66 = arith.constant 0 : i32
      %sign3A_67 = arith.cmpi slt, %mul3A_63, %sign3A_66 : i32
      %sign3A_68 = arith.extui %sign3A_67 : i1 to i32
      %sign3A_69 = arith.subi %sign3A_65, %sign3A_68 : i32
      %sign3A_70 = arith.constant 0 : i32
      %sign3A_71 = arith.cmpi sgt, %jit3A, %sign3A_70 : i32
      %sign3A_72 = arith.extui %sign3A_71 : i1 to i32
      %sign3A_73 = arith.constant 0 : i32
      %sign3A_74 = arith.cmpi slt, %jit3A, %sign3A_73 : i32
      %sign3A_75 = arith.extui %sign3A_74 : i1 to i32
      %sign3A_76 = arith.subi %sign3A_72, %sign3A_75 : i32
      %ne3A = arith.cmpi ne, %sign3A_69, %sign3A_76 : i32
      %rem3A = arith.remsi %mul3A_63, %jit3A : i32
      %ne3A_77 = arith.constant 0 : i32
      %ne3A_78 = arith.cmpi ne, %rem3A, %ne3A_77 : i32
      %and3A_79 = arith.andi %ne3A, %ne3A_78 : i1
      %sub3A_80 = arith.constant 1 : i32
      %sub3A_81 = arith.subi %div3A, %sub3A_80 : i32
      %select_n3A = arith.select %and3A_79, %sub3A_81, %div3A : i32
      %add3A_82 = arith.constant 1 : i32
      %add3A_83 = arith.addi %sub3A_61, %add3A_82 : i32
      %mul3A_84 = arith.constant 504 : i32
      %mul3A_85 = arith.muli %add3A_83, %mul3A_84 : i32
      %jit3A_86 = arith.constant 11 : i32
      %div3A_87 = arith.divsi %mul3A_85, %jit3A_86 : i32
      %sign3A_88 = arith.constant 0 : i32
      %sign3A_89 = arith.cmpi sgt, %mul3A_85, %sign3A_88 : i32
      %sign3A_90 = arith.extui %sign3A_89 : i1 to i32
      %sign3A_91 = arith.constant 0 : i32
      %sign3A_92 = arith.cmpi slt, %mul3A_85, %sign3A_91 : i32
      %sign3A_93 = arith.extui %sign3A_92 : i1 to i32
      %sign3A_94 = arith.subi %sign3A_90, %sign3A_93 : i32
      %sign3A_95 = arith.constant 0 : i32
      %sign3A_96 = arith.cmpi sgt, %jit3A_86, %sign3A_95 : i32
      %sign3A_97 = arith.extui %sign3A_96 : i1 to i32
      %sign3A_98 = arith.constant 0 : i32
      %sign3A_99 = arith.cmpi slt, %jit3A_86, %sign3A_98 : i32
      %sign3A_100 = arith.extui %sign3A_99 : i1 to i32
      %sign3A_101 = arith.subi %sign3A_97, %sign3A_100 : i32
      %ne3A_102 = arith.cmpi ne, %sign3A_94, %sign3A_101 : i32
      %rem3A_103 = arith.remsi %mul3A_85, %jit3A_86 : i32
      %ne3A_104 = arith.constant 0 : i32
      %ne3A_105 = arith.cmpi ne, %rem3A_103, %ne3A_104 : i32
      %and3A_106 = arith.andi %ne3A_102, %ne3A_105 : i1
      %sub3A_107 = arith.constant 1 : i32
      %sub3A_108 = arith.subi %div3A_87, %sub3A_107 : i32
      %select_n3A_109 = arith.select %and3A_106, %sub3A_108, %div3A_87 : i32
      %while3A = arith.constant 0 : i32
      %while3A_110 = arith.subi %select_n3A_109, %select_n3A : i32
      %while3A_111 = arith.addi %select_n3A, %while3A_110 : i32
      %while3A_112 = arith.constant 1 : i32
      %while3A_113 = arith.divsi %while3A_110, %while3A_112 : i32
      %while3A_114 = arith.muli %while3A_113, %while3A_112 : i32
      %while3A_115 = arith.addi %select_n3A, %while3A_114 : i32
      %while3A_116 = arith.constant 1 : i32
      scf.for %while3A_129 = %select_n3A to %while3A_115 step %while3A_116  : i32 {
        %dma_start3A_130 = arith.constant 0 : i32
        %dma_start3A_131 = arith.constant 0 : i32
        %dma_start3A_132 = tpu.memref_slice %arg6[%while3A_129, %dma_start3A_130, %dma_start3A_131] : memref<504x117x300xf32, #tpu.memory_space<hbm>> -> memref<1x117x300xf32, #tpu.memory_space<hbm>>
        %dma_start3A_133 = tpu.memref_squeeze %dma_start3A_132 : memref<1x117x300xf32, #tpu.memory_space<hbm>> -> memref<117x300xf32, #tpu.memory_space<hbm>>
        %dma_start3A_134 = arith.constant 0 : i32
        %dma_start3A_135 = arith.constant 0 : i32
        %dma_start3A_136 = tpu.memref_slice %arg6[%while3A_129, %dma_start3A_134, %dma_start3A_135] : memref<504x117x300xf32, #tpu.memory_space<hbm>> -> memref<1x117x300xf32, #tpu.memory_space<hbm>>
        %dma_start3A_137 = tpu.memref_squeeze %dma_start3A_136 : memref<1x117x300xf32, #tpu.memory_space<hbm>> -> memref<117x300xf32, #tpu.memory_space<hbm>>
        tpu.enqueue_dma source(%arg10 : memref<117x300xf32, #tpu.memory_space<vmem>>) target(%dma_start3A_137 : memref<117x300xf32, #tpu.memory_space<hbm>>) target_semaphore(%arg12 : memref<!tpu.dma_semaphore, #tpu.memory_space<semaphore_mem>>)
        %sub3A_138 = arith.subi %while3A_129, %select_n3A : i32
        %ge3A_139 = arith.constant 16 : i32
        %ge3A_140 = arith.cmpi sge, %sub3A_138, %ge3A_139 : i32
        %convert_element_type3A_141 = arith.extui %ge3A_140 : i1 to i32
        %cond3A_142 = arith.constant 0 : i32
        %cond3A_143 = arith.cmpi ne, %convert_element_type3A_141, %cond3A_142 : i32
        scf.if %cond3A_143 {
          %sub3A_144 = arith.constant 16 : i32
          %sub3A_145 = arith.subi %while3A_129, %sub3A_144 : i32
          %dma_wait3A_146 = arith.constant 0 : i32
          %dma_wait3A_147 = arith.constant 0 : i32
          %dma_wait3A_148 = tpu.memref_slice %arg6[%sub3A_145, %dma_wait3A_146, %dma_wait3A_147] : memref<504x117x300xf32, #tpu.memory_space<hbm>> -> memref<1x117x300xf32, #tpu.memory_space<hbm>>
          %dma_wait3A_149 = tpu.memref_squeeze %dma_wait3A_148 : memref<1x117x300xf32, #tpu.memory_space<hbm>> -> memref<117x300xf32, #tpu.memory_space<hbm>>
          %dma_wait3A_150 = arith.constant 0 : i32
          %dma_wait3A_151 = arith.constant 0 : i32
          %dma_wait3A_152 = tpu.memref_slice %arg6[%sub3A_145, %dma_wait3A_150, %dma_wait3A_151] : memref<504x117x300xf32, #tpu.memory_space<hbm>> -> memref<1x117x300xf32, #tpu.memory_space<hbm>>
          %dma_wait3A_153 = tpu.memref_squeeze %dma_wait3A_152 : memref<1x117x300xf32, #tpu.memory_space<hbm>> -> memref<117x300xf32, #tpu.memory_space<hbm>>
          tpu.wait_dma2 semaphore(%arg12 : memref<!tpu.dma_semaphore, #tpu.memory_space<semaphore_mem>>) src(%arg10 : memref<117x300xf32, #tpu.memory_space<vmem>>) dst(%dma_wait3A_153 : memref<117x300xf32, #tpu.memory_space<hbm>>)
        } else {
        }
      }
      %while3A_117 = arith.constant 1 : i32
      scf.for %while3A_129 = %while3A_115 to %while3A_111 step %while3A_117  : i32 {
        %dma_start3A_130 = arith.constant 0 : i32
        %dma_start3A_131 = arith.constant 0 : i32
        %dma_start3A_132 = tpu.memref_slice %arg6[%while3A_129, %dma_start3A_130, %dma_start3A_131] : memref<504x117x300xf32, #tpu.memory_space<hbm>> -> memref<1x117x300xf32, #tpu.memory_space<hbm>>
        %dma_start3A_133 = tpu.memref_squeeze %dma_start3A_132 : memref<1x117x300xf32, #tpu.memory_space<hbm>> -> memref<117x300xf32, #tpu.memory_space<hbm>>
        %dma_start3A_134 = arith.constant 0 : i32
        %dma_start3A_135 = arith.constant 0 : i32
        %dma_start3A_136 = tpu.memref_slice %arg6[%while3A_129, %dma_start3A_134, %dma_start3A_135] : memref<504x117x300xf32, #tpu.memory_space<hbm>> -> memref<1x117x300xf32, #tpu.memory_space<hbm>>
        %dma_start3A_137 = tpu.memref_squeeze %dma_start3A_136 : memref<1x117x300xf32, #tpu.memory_space<hbm>> -> memref<117x300xf32, #tpu.memory_space<hbm>>
        tpu.enqueue_dma source(%arg10 : memref<117x300xf32, #tpu.memory_space<vmem>>) target(%dma_start3A_137 : memref<117x300xf32, #tpu.memory_space<hbm>>) target_semaphore(%arg12 : memref<!tpu.dma_semaphore, #tpu.memory_space<semaphore_mem>>)
        %sub3A_138 = arith.subi %while3A_129, %select_n3A : i32
        %ge3A_139 = arith.constant 16 : i32
        %ge3A_140 = arith.cmpi sge, %sub3A_138, %ge3A_139 : i32
        %convert_element_type3A_141 = arith.extui %ge3A_140 : i1 to i32
        %cond3A_142 = arith.constant 0 : i32
        %cond3A_143 = arith.cmpi ne, %convert_element_type3A_141, %cond3A_142 : i32
        scf.if %cond3A_143 {
          %sub3A_144 = arith.constant 16 : i32
          %sub3A_145 = arith.subi %while3A_129, %sub3A_144 : i32
          %dma_wait3A_146 = arith.constant 0 : i32
          %dma_wait3A_147 = arith.constant 0 : i32
          %dma_wait3A_148 = tpu.memref_slice %arg6[%sub3A_145, %dma_wait3A_146, %dma_wait3A_147] : memref<504x117x300xf32, #tpu.memory_space<hbm>> -> memref<1x117x300xf32, #tpu.memory_space<hbm>>
          %dma_wait3A_149 = tpu.memref_squeeze %dma_wait3A_148 : memref<1x117x300xf32, #tpu.memory_space<hbm>> -> memref<117x300xf32, #tpu.memory_space<hbm>>
          %dma_wait3A_150 = arith.constant 0 : i32
          %dma_wait3A_151 = arith.constant 0 : i32
          %dma_wait3A_152 = tpu.memref_slice %arg6[%sub3A_145, %dma_wait3A_150, %dma_wait3A_151] : memref<504x117x300xf32, #tpu.memory_space<hbm>> -> memref<1x117x300xf32, #tpu.memory_space<hbm>>
          %dma_wait3A_153 = tpu.memref_squeeze %dma_wait3A_152 : memref<1x117x300xf32, #tpu.memory_space<hbm>> -> memref<117x300xf32, #tpu.memory_space<hbm>>
          tpu.wait_dma2 semaphore(%arg12 : memref<!tpu.dma_semaphore, #tpu.memory_space<semaphore_mem>>) src(%arg10 : memref<117x300xf32, #tpu.memory_space<vmem>>) dst(%dma_wait3A_153 : memref<117x300xf32, #tpu.memory_space<hbm>>)
        } else {
        }
      }
      %sub3A_118 = arith.constant 16 : i32
      %sub3A_119 = arith.subi %select_n3A_109, %sub3A_118 : i32
      %max3A = arith.maxsi %select_n3A, %sub3A_119 : i32
      %while3A_120 = arith.constant 0 : i32
      %while3A_121 = arith.subi %select_n3A_109, %max3A : i32
      %while3A_122 = arith.addi %max3A, %while3A_121 : i32
      %while3A_123 = arith.constant 1 : i32
      %while3A_124 = arith.divsi %while3A_121, %while3A_123 : i32
      %while3A_125 = arith.muli %while3A_124, %while3A_123 : i32
      %while3A_126 = arith.addi %max3A, %while3A_125 : i32
      %while3A_127 = arith.constant 1 : i32
      scf.for %while3A_129 = %max3A to %while3A_126 step %while3A_127  : i32 {
        %dma_wait3A_130 = arith.constant 0 : i32
        %dma_wait3A_131 = arith.constant 0 : i32
        %dma_wait3A_132 = tpu.memref_slice %arg6[%while3A_129, %dma_wait3A_130, %dma_wait3A_131] : memref<504x117x300xf32, #tpu.memory_space<hbm>> -> memref<1x117x300xf32, #tpu.memory_space<hbm>>
        %dma_wait3A_133 = tpu.memref_squeeze %dma_wait3A_132 : memref<1x117x300xf32, #tpu.memory_space<hbm>> -> memref<117x300xf32, #tpu.memory_space<hbm>>
        %dma_wait3A_134 = arith.constant 0 : i32
        %dma_wait3A_135 = arith.constant 0 : i32
        %dma_wait3A_136 = tpu.memref_slice %arg6[%while3A_129, %dma_wait3A_134, %dma_wait3A_135] : memref<504x117x300xf32, #tpu.memory_space<hbm>> -> memref<1x117x300xf32, #tpu.memory_space<hbm>>
        %dma_wait3A_137 = tpu.memref_squeeze %dma_wait3A_136 : memref<1x117x300xf32, #tpu.memory_space<hbm>> -> memref<117x300xf32, #tpu.memory_space<hbm>>
        tpu.wait_dma2 semaphore(%arg12 : memref<!tpu.dma_semaphore, #tpu.memory_space<semaphore_mem>>) src(%arg10 : memref<117x300xf32, #tpu.memory_space<vmem>>) dst(%dma_wait3A_137 : memref<117x300xf32, #tpu.memory_space<hbm>>)
      }
      %while3A_128 = arith.constant 1 : i32
      scf.for %while3A_129 = %while3A_126 to %while3A_122 step %while3A_128  : i32 {
        %dma_wait3A_130 = arith.constant 0 : i32
        %dma_wait3A_131 = arith.constant 0 : i32
        %dma_wait3A_132 = tpu.memref_slice %arg6[%while3A_129, %dma_wait3A_130, %dma_wait3A_131] : memref<504x117x300xf32, #tpu.memory_space<hbm>> -> memref<1x117x300xf32, #tpu.memory_space<hbm>>
        %dma_wait3A_133 = tpu.memref_squeeze %dma_wait3A_132 : memref<1x117x300xf32, #tpu.memory_space<hbm>> -> memref<117x300xf32, #tpu.memory_space<hbm>>
        %dma_wait3A_134 = arith.constant 0 : i32
        %dma_wait3A_135 = arith.constant 0 : i32
        %dma_wait3A_136 = tpu.memref_slice %arg6[%while3A_129, %dma_wait3A_134, %dma_wait3A_135] : memref<504x117x300xf32, #tpu.memory_space<hbm>> -> memref<1x117x300xf32, #tpu.memory_space<hbm>>
        %dma_wait3A_137 = tpu.memref_squeeze %dma_wait3A_136 : memref<1x117x300xf32, #tpu.memory_space<hbm>> -> memref<117x300xf32, #tpu.memory_space<hbm>>
        tpu.wait_dma2 semaphore(%arg12 : memref<!tpu.dma_semaphore, #tpu.memory_space<semaphore_mem>>) src(%arg10 : memref<117x300xf32, #tpu.memory_space<vmem>>) dst(%dma_wait3A_137 : memref<117x300xf32, #tpu.memory_space<hbm>>)
      }
    } else {
    }
    %ge3A_15 = arith.constant 11 : i32
    %ge3A_16 = arith.cmpi sge, %add3A, %ge3A_15 : i32
    %lt3A_17 = arith.constant 22 : i32
    %lt3A_18 = arith.cmpi slt, %add3A, %lt3A_17 : i32
    %and3A_19 = arith.andi %ge3A_16, %lt3A_18 : i1
    %convert_element_type3A_20 = arith.extui %and3A_19 : i1 to i32
    %cond3A_21 = arith.constant 0 : i32
    %cond3A_22 = arith.cmpi ne, %convert_element_type3A_20, %cond3A_21 : i32
    scf.if %cond3A_22 {
      "tpu.region"() ({
        %run_scoped3A = tpu.sem_alloc : memref<!tpu.dma_semaphore, #tpu.memory_space<semaphore_mem>>
        tpu.enqueue_dma source(%arg3 : memref<117x300xf32, #tpu.memory_space<hbm>>) target(%arg10 : memref<117x300xf32, #tpu.memory_space<vmem>>) target_semaphore(%run_scoped3A : memref<!tpu.dma_semaphore, #tpu.memory_space<semaphore_mem>>)
        tpu.wait_dma2 semaphore(%run_scoped3A : memref<!tpu.dma_semaphore, #tpu.memory_space<semaphore_mem>>) src(%arg3 : memref<117x300xf32, #tpu.memory_space<hbm>>) dst(%arg10 : memref<117x300xf32, #tpu.memory_space<vmem>>)
        tpu.yield
      }) : () -> ()
      %sub3A = arith.constant 11 : i32
      %sub3A_61 = arith.subi %add3A, %sub3A : i32
      %mul3A_62 = arith.constant 504 : i32
      %mul3A_63 = arith.muli %sub3A_61, %mul3A_62 : i32
      %jit3A = arith.constant 11 : i32
      %div3A = arith.divsi %mul3A_63, %jit3A : i32
      %sign3A = arith.constant 0 : i32
      %sign3A_64 = arith.cmpi sgt, %mul3A_63, %sign3A : i32
      %sign3A_65 = arith.extui %sign3A_64 : i1 to i32
      %sign3A_66 = arith.constant 0 : i32
      %sign3A_67 = arith.cmpi slt, %mul3A_63, %sign3A_66 : i32
      %sign3A_68 = arith.extui %sign3A_67 : i1 to i32
      %sign3A_69 = arith.subi %sign3A_65, %sign3A_68 : i32
      %sign3A_70 = arith.constant 0 : i32
      %sign3A_71 = arith.cmpi sgt, %jit3A, %sign3A_70 : i32
      %sign3A_72 = arith.extui %sign3A_71 : i1 to i32
      %sign3A_73 = arith.constant 0 : i32
      %sign3A_74 = arith.cmpi slt, %jit3A, %sign3A_73 : i32
      %sign3A_75 = arith.extui %sign3A_74 : i1 to i32
      %sign3A_76 = arith.subi %sign3A_72, %sign3A_75 : i32
      %ne3A = arith.cmpi ne, %sign3A_69, %sign3A_76 : i32
      %rem3A = arith.remsi %mul3A_63, %jit3A : i32
      %ne3A_77 = arith.constant 0 : i32
      %ne3A_78 = arith.cmpi ne, %rem3A, %ne3A_77 : i32
      %and3A_79 = arith.andi %ne3A, %ne3A_78 : i1
      %sub3A_80 = arith.constant 1 : i32
      %sub3A_81 = arith.subi %div3A, %sub3A_80 : i32
      %select_n3A = arith.select %and3A_79, %sub3A_81, %div3A : i32
      %add3A_82 = arith.constant 1 : i32
      %add3A_83 = arith.addi %sub3A_61, %add3A_82 : i32
      %mul3A_84 = arith.constant 504 : i32
      %mul3A_85 = arith.muli %add3A_83, %mul3A_84 : i32
      %jit3A_86 = arith.constant 11 : i32
      %div3A_87 = arith.divsi %mul3A_85, %jit3A_86 : i32
      %sign3A_88 = arith.constant 0 : i32
      %sign3A_89 = arith.cmpi sgt, %mul3A_85, %sign3A_88 : i32
      %sign3A_90 = arith.extui %sign3A_89 : i1 to i32
      %sign3A_91 = arith.constant 0 : i32
      %sign3A_92 = arith.cmpi slt, %mul3A_85, %sign3A_91 : i32
      %sign3A_93 = arith.extui %sign3A_92 : i1 to i32
      %sign3A_94 = arith.subi %sign3A_90, %sign3A_93 : i32
      %sign3A_95 = arith.constant 0 : i32
      %sign3A_96 = arith.cmpi sgt, %jit3A_86, %sign3A_95 : i32
      %sign3A_97 = arith.extui %sign3A_96 : i1 to i32
      %sign3A_98 = arith.constant 0 : i32
      %sign3A_99 = arith.cmpi slt, %jit3A_86, %sign3A_98 : i32
      %sign3A_100 = arith.extui %sign3A_99 : i1 to i32
      %sign3A_101 = arith.subi %sign3A_97, %sign3A_100 : i32
      %ne3A_102 = arith.cmpi ne, %sign3A_94, %sign3A_101 : i32
      %rem3A_103 = arith.remsi %mul3A_85, %jit3A_86 : i32
      %ne3A_104 = arith.constant 0 : i32
      %ne3A_105 = arith.cmpi ne, %rem3A_103, %ne3A_104 : i32
      %and3A_106 = arith.andi %ne3A_102, %ne3A_105 : i1
      %sub3A_107 = arith.constant 1 : i32
      %sub3A_108 = arith.subi %div3A_87, %sub3A_107 : i32
      %select_n3A_109 = arith.select %and3A_106, %sub3A_108, %div3A_87 : i32
      %while3A = arith.constant 0 : i32
      %while3A_110 = arith.subi %select_n3A_109, %select_n3A : i32
      %while3A_111 = arith.addi %select_n3A, %while3A_110 : i32
      %while3A_112 = arith.constant 1 : i32
      %while3A_113 = arith.divsi %while3A_110, %while3A_112 : i32
      %while3A_114 = arith.muli %while3A_113, %while3A_112 : i32
      %while3A_115 = arith.addi %select_n3A, %while3A_114 : i32
      %while3A_116 = arith.constant 1 : i32
      scf.for %while3A_129 = %select_n3A to %while3A_115 step %while3A_116  : i32 {
        %dma_start3A_130 = arith.constant 0 : i32
        %dma_start3A_131 = arith.constant 0 : i32
        %dma_start3A_132 = tpu.memref_slice %arg7[%while3A_129, %dma_start3A_130, %dma_start3A_131] : memref<504x117x300xf32, #tpu.memory_space<hbm>> -> memref<1x117x300xf32, #tpu.memory_space<hbm>>
        %dma_start3A_133 = tpu.memref_squeeze %dma_start3A_132 : memref<1x117x300xf32, #tpu.memory_space<hbm>> -> memref<117x300xf32, #tpu.memory_space<hbm>>
        %dma_start3A_134 = arith.constant 0 : i32
        %dma_start3A_135 = arith.constant 0 : i32
        %dma_start3A_136 = tpu.memref_slice %arg7[%while3A_129, %dma_start3A_134, %dma_start3A_135] : memref<504x117x300xf32, #tpu.memory_space<hbm>> -> memref<1x117x300xf32, #tpu.memory_space<hbm>>
        %dma_start3A_137 = tpu.memref_squeeze %dma_start3A_136 : memref<1x117x300xf32, #tpu.memory_space<hbm>> -> memref<117x300xf32, #tpu.memory_space<hbm>>
        tpu.enqueue_dma source(%arg10 : memref<117x300xf32, #tpu.memory_space<vmem>>) target(%dma_start3A_137 : memref<117x300xf32, #tpu.memory_space<hbm>>) target_semaphore(%arg12 : memref<!tpu.dma_semaphore, #tpu.memory_space<semaphore_mem>>)
        %sub3A_138 = arith.subi %while3A_129, %select_n3A : i32
        %ge3A_139 = arith.constant 16 : i32
        %ge3A_140 = arith.cmpi sge, %sub3A_138, %ge3A_139 : i32
        %convert_element_type3A_141 = arith.extui %ge3A_140 : i1 to i32
        %cond3A_142 = arith.constant 0 : i32
        %cond3A_143 = arith.cmpi ne, %convert_element_type3A_141, %cond3A_142 : i32
        scf.if %cond3A_143 {
          %sub3A_144 = arith.constant 16 : i32
          %sub3A_145 = arith.subi %while3A_129, %sub3A_144 : i32
          %dma_wait3A_146 = arith.constant 0 : i32
          %dma_wait3A_147 = arith.constant 0 : i32
          %dma_wait3A_148 = tpu.memref_slice %arg7[%sub3A_145, %dma_wait3A_146, %dma_wait3A_147] : memref<504x117x300xf32, #tpu.memory_space<hbm>> -> memref<1x117x300xf32, #tpu.memory_space<hbm>>
          %dma_wait3A_149 = tpu.memref_squeeze %dma_wait3A_148 : memref<1x117x300xf32, #tpu.memory_space<hbm>> -> memref<117x300xf32, #tpu.memory_space<hbm>>
          %dma_wait3A_150 = arith.constant 0 : i32
          %dma_wait3A_151 = arith.constant 0 : i32
          %dma_wait3A_152 = tpu.memref_slice %arg7[%sub3A_145, %dma_wait3A_150, %dma_wait3A_151] : memref<504x117x300xf32, #tpu.memory_space<hbm>> -> memref<1x117x300xf32, #tpu.memory_space<hbm>>
          %dma_wait3A_153 = tpu.memref_squeeze %dma_wait3A_152 : memref<1x117x300xf32, #tpu.memory_space<hbm>> -> memref<117x300xf32, #tpu.memory_space<hbm>>
          tpu.wait_dma2 semaphore(%arg12 : memref<!tpu.dma_semaphore, #tpu.memory_space<semaphore_mem>>) src(%arg10 : memref<117x300xf32, #tpu.memory_space<vmem>>) dst(%dma_wait3A_153 : memref<117x300xf32, #tpu.memory_space<hbm>>)
        } else {
        }
      }
      %while3A_117 = arith.constant 1 : i32
      scf.for %while3A_129 = %while3A_115 to %while3A_111 step %while3A_117  : i32 {
        %dma_start3A_130 = arith.constant 0 : i32
        %dma_start3A_131 = arith.constant 0 : i32
        %dma_start3A_132 = tpu.memref_slice %arg7[%while3A_129, %dma_start3A_130, %dma_start3A_131] : memref<504x117x300xf32, #tpu.memory_space<hbm>> -> memref<1x117x300xf32, #tpu.memory_space<hbm>>
        %dma_start3A_133 = tpu.memref_squeeze %dma_start3A_132 : memref<1x117x300xf32, #tpu.memory_space<hbm>> -> memref<117x300xf32, #tpu.memory_space<hbm>>
        %dma_start3A_134 = arith.constant 0 : i32
        %dma_start3A_135 = arith.constant 0 : i32
        %dma_start3A_136 = tpu.memref_slice %arg7[%while3A_129, %dma_start3A_134, %dma_start3A_135] : memref<504x117x300xf32, #tpu.memory_space<hbm>> -> memref<1x117x300xf32, #tpu.memory_space<hbm>>
        %dma_start3A_137 = tpu.memref_squeeze %dma_start3A_136 : memref<1x117x300xf32, #tpu.memory_space<hbm>> -> memref<117x300xf32, #tpu.memory_space<hbm>>
        tpu.enqueue_dma source(%arg10 : memref<117x300xf32, #tpu.memory_space<vmem>>) target(%dma_start3A_137 : memref<117x300xf32, #tpu.memory_space<hbm>>) target_semaphore(%arg12 : memref<!tpu.dma_semaphore, #tpu.memory_space<semaphore_mem>>)
        %sub3A_138 = arith.subi %while3A_129, %select_n3A : i32
        %ge3A_139 = arith.constant 16 : i32
        %ge3A_140 = arith.cmpi sge, %sub3A_138, %ge3A_139 : i32
        %convert_element_type3A_141 = arith.extui %ge3A_140 : i1 to i32
        %cond3A_142 = arith.constant 0 : i32
        %cond3A_143 = arith.cmpi ne, %convert_element_type3A_141, %cond3A_142 : i32
        scf.if %cond3A_143 {
          %sub3A_144 = arith.constant 16 : i32
          %sub3A_145 = arith.subi %while3A_129, %sub3A_144 : i32
          %dma_wait3A_146 = arith.constant 0 : i32
          %dma_wait3A_147 = arith.constant 0 : i32
          %dma_wait3A_148 = tpu.memref_slice %arg7[%sub3A_145, %dma_wait3A_146, %dma_wait3A_147] : memref<504x117x300xf32, #tpu.memory_space<hbm>> -> memref<1x117x300xf32, #tpu.memory_space<hbm>>
          %dma_wait3A_149 = tpu.memref_squeeze %dma_wait3A_148 : memref<1x117x300xf32, #tpu.memory_space<hbm>> -> memref<117x300xf32, #tpu.memory_space<hbm>>
          %dma_wait3A_150 = arith.constant 0 : i32
          %dma_wait3A_151 = arith.constant 0 : i32
          %dma_wait3A_152 = tpu.memref_slice %arg7[%sub3A_145, %dma_wait3A_150, %dma_wait3A_151] : memref<504x117x300xf32, #tpu.memory_space<hbm>> -> memref<1x117x300xf32, #tpu.memory_space<hbm>>
          %dma_wait3A_153 = tpu.memref_squeeze %dma_wait3A_152 : memref<1x117x300xf32, #tpu.memory_space<hbm>> -> memref<117x300xf32, #tpu.memory_space<hbm>>
          tpu.wait_dma2 semaphore(%arg12 : memref<!tpu.dma_semaphore, #tpu.memory_space<semaphore_mem>>) src(%arg10 : memref<117x300xf32, #tpu.memory_space<vmem>>) dst(%dma_wait3A_153 : memref<117x300xf32, #tpu.memory_space<hbm>>)
        } else {
        }
      }
      %sub3A_118 = arith.constant 16 : i32
      %sub3A_119 = arith.subi %select_n3A_109, %sub3A_118 : i32
      %max3A = arith.maxsi %select_n3A, %sub3A_119 : i32
      %while3A_120 = arith.constant 0 : i32
      %while3A_121 = arith.subi %select_n3A_109, %max3A : i32
      %while3A_122 = arith.addi %max3A, %while3A_121 : i32
      %while3A_123 = arith.constant 1 : i32
      %while3A_124 = arith.divsi %while3A_121, %while3A_123 : i32
      %while3A_125 = arith.muli %while3A_124, %while3A_123 : i32
      %while3A_126 = arith.addi %max3A, %while3A_125 : i32
      %while3A_127 = arith.constant 1 : i32
      scf.for %while3A_129 = %max3A to %while3A_126 step %while3A_127  : i32 {
        %dma_wait3A_130 = arith.constant 0 : i32
        %dma_wait3A_131 = arith.constant 0 : i32
        %dma_wait3A_132 = tpu.memref_slice %arg7[%while3A_129, %dma_wait3A_130, %dma_wait3A_131] : memref<504x117x300xf32, #tpu.memory_space<hbm>> -> memref<1x117x300xf32, #tpu.memory_space<hbm>>
        %dma_wait3A_133 = tpu.memref_squeeze %dma_wait3A_132 : memref<1x117x300xf32, #tpu.memory_space<hbm>> -> memref<117x300xf32, #tpu.memory_space<hbm>>
        %dma_wait3A_134 = arith.constant 0 : i32
        %dma_wait3A_135 = arith.constant 0 : i32
        %dma_wait3A_136 = tpu.memref_slice %arg7[%while3A_129, %dma_wait3A_134, %dma_wait3A_135] : memref<504x117x300xf32, #tpu.memory_space<hbm>> -> memref<1x117x300xf32, #tpu.memory_space<hbm>>
        %dma_wait3A_137 = tpu.memref_squeeze %dma_wait3A_136 : memref<1x117x300xf32, #tpu.memory_space<hbm>> -> memref<117x300xf32, #tpu.memory_space<hbm>>
        tpu.wait_dma2 semaphore(%arg12 : memref<!tpu.dma_semaphore, #tpu.memory_space<semaphore_mem>>) src(%arg10 : memref<117x300xf32, #tpu.memory_space<vmem>>) dst(%dma_wait3A_137 : memref<117x300xf32, #tpu.memory_space<hbm>>)
      }
      %while3A_128 = arith.constant 1 : i32
      scf.for %while3A_129 = %while3A_126 to %while3A_122 step %while3A_128  : i32 {
        %dma_wait3A_130 = arith.constant 0 : i32
        %dma_wait3A_131 = arith.constant 0 : i32
        %dma_wait3A_132 = tpu.memref_slice %arg7[%while3A_129, %dma_wait3A_130, %dma_wait3A_131] : memref<504x117x300xf32, #tpu.memory_space<hbm>> -> memref<1x117x300xf32, #tpu.memory_space<hbm>>
        %dma_wait3A_133 = tpu.memref_squeeze %dma_wait3A_132 : memref<1x117x300xf32, #tpu.memory_space<hbm>> -> memref<117x300xf32, #tpu.memory_space<hbm>>
        %dma_wait3A_134 = arith.constant 0 : i32
        %dma_wait3A_135 = arith.constant 0 : i32
        %dma_wait3A_136 = tpu.memref_slice %arg7[%while3A_129, %dma_wait3A_134, %dma_wait3A_135] : memref<504x117x300xf32, #tpu.memory_space<hbm>> -> memref<1x117x300xf32, #tpu.memory_space<hbm>>
        %dma_wait3A_137 = tpu.memref_squeeze %dma_wait3A_136 : memref<1x117x300xf32, #tpu.memory_space<hbm>> -> memref<117x300xf32, #tpu.memory_space<hbm>>
        tpu.wait_dma2 semaphore(%arg12 : memref<!tpu.dma_semaphore, #tpu.memory_space<semaphore_mem>>) src(%arg10 : memref<117x300xf32, #tpu.memory_space<vmem>>) dst(%dma_wait3A_137 : memref<117x300xf32, #tpu.memory_space<hbm>>)
      }
    } else {
    }
    %ge3A_23 = arith.constant 22 : i32
    %ge3A_24 = arith.cmpi sge, %add3A, %ge3A_23 : i32
    %lt3A_25 = arith.constant 32 : i32
    %lt3A_26 = arith.cmpi slt, %add3A, %lt3A_25 : i32
    %and3A_27 = arith.andi %ge3A_24, %lt3A_26 : i1
    %convert_element_type3A_28 = arith.extui %and3A_27 : i1 to i32
    %cond3A_29 = arith.constant 0 : i32
    %cond3A_30 = arith.cmpi ne, %convert_element_type3A_28, %cond3A_29 : i32
    scf.if %cond3A_30 {
      "tpu.region"() ({
        %run_scoped3A = tpu.sem_alloc : memref<!tpu.dma_semaphore, #tpu.memory_space<semaphore_mem>>
        tpu.enqueue_dma source(%arg4 : memref<117x300xf32, #tpu.memory_space<hbm>>) target(%arg10 : memref<117x300xf32, #tpu.memory_space<vmem>>) target_semaphore(%run_scoped3A : memref<!tpu.dma_semaphore, #tpu.memory_space<semaphore_mem>>)
        tpu.wait_dma2 semaphore(%run_scoped3A : memref<!tpu.dma_semaphore, #tpu.memory_space<semaphore_mem>>) src(%arg4 : memref<117x300xf32, #tpu.memory_space<hbm>>) dst(%arg10 : memref<117x300xf32, #tpu.memory_space<vmem>>)
        tpu.yield
      }) : () -> ()
      %sub3A = arith.constant 22 : i32
      %sub3A_61 = arith.subi %add3A, %sub3A : i32
      %mul3A_62 = arith.constant 504 : i32
      %mul3A_63 = arith.muli %sub3A_61, %mul3A_62 : i32
      %jit3A = arith.constant 10 : i32
      %div3A = arith.divsi %mul3A_63, %jit3A : i32
      %sign3A = arith.constant 0 : i32
      %sign3A_64 = arith.cmpi sgt, %mul3A_63, %sign3A : i32
      %sign3A_65 = arith.extui %sign3A_64 : i1 to i32
      %sign3A_66 = arith.constant 0 : i32
      %sign3A_67 = arith.cmpi slt, %mul3A_63, %sign3A_66 : i32
      %sign3A_68 = arith.extui %sign3A_67 : i1 to i32
      %sign3A_69 = arith.subi %sign3A_65, %sign3A_68 : i32
      %sign3A_70 = arith.constant 0 : i32
      %sign3A_71 = arith.cmpi sgt, %jit3A, %sign3A_70 : i32
      %sign3A_72 = arith.extui %sign3A_71 : i1 to i32
      %sign3A_73 = arith.constant 0 : i32
      %sign3A_74 = arith.cmpi slt, %jit3A, %sign3A_73 : i32
      %sign3A_75 = arith.extui %sign3A_74 : i1 to i32
      %sign3A_76 = arith.subi %sign3A_72, %sign3A_75 : i32
      %ne3A = arith.cmpi ne, %sign3A_69, %sign3A_76 : i32
      %rem3A = arith.remsi %mul3A_63, %jit3A : i32
      %ne3A_77 = arith.constant 0 : i32
      %ne3A_78 = arith.cmpi ne, %rem3A, %ne3A_77 : i32
      %and3A_79 = arith.andi %ne3A, %ne3A_78 : i1
      %sub3A_80 = arith.constant 1 : i32
      %sub3A_81 = arith.subi %div3A, %sub3A_80 : i32
      %select_n3A = arith.select %and3A_79, %sub3A_81, %div3A : i32
      %add3A_82 = arith.constant 1 : i32
      %add3A_83 = arith.addi %sub3A_61, %add3A_82 : i32
      %mul3A_84 = arith.constant 504 : i32
      %mul3A_85 = arith.muli %add3A_83, %mul3A_84 : i32
      %jit3A_86 = arith.constant 10 : i32
      %div3A_87 = arith.divsi %mul3A_85, %jit3A_86 : i32
      %sign3A_88 = arith.constant 0 : i32
      %sign3A_89 = arith.cmpi sgt, %mul3A_85, %sign3A_88 : i32
      %sign3A_90 = arith.extui %sign3A_89 : i1 to i32
      %sign3A_91 = arith.constant 0 : i32
      %sign3A_92 = arith.cmpi slt, %mul3A_85, %sign3A_91 : i32
      %sign3A_93 = arith.extui %sign3A_92 : i1 to i32
      %sign3A_94 = arith.subi %sign3A_90, %sign3A_93 : i32
      %sign3A_95 = arith.constant 0 : i32
      %sign3A_96 = arith.cmpi sgt, %jit3A_86, %sign3A_95 : i32
      %sign3A_97 = arith.extui %sign3A_96 : i1 to i32
      %sign3A_98 = arith.constant 0 : i32
      %sign3A_99 = arith.cmpi slt, %jit3A_86, %sign3A_98 : i32
      %sign3A_100 = arith.extui %sign3A_99 : i1 to i32
      %sign3A_101 = arith.subi %sign3A_97, %sign3A_100 : i32
      %ne3A_102 = arith.cmpi ne, %sign3A_94, %sign3A_101 : i32
      %rem3A_103 = arith.remsi %mul3A_85, %jit3A_86 : i32
      %ne3A_104 = arith.constant 0 : i32
      %ne3A_105 = arith.cmpi ne, %rem3A_103, %ne3A_104 : i32
      %and3A_106 = arith.andi %ne3A_102, %ne3A_105 : i1
      %sub3A_107 = arith.constant 1 : i32
      %sub3A_108 = arith.subi %div3A_87, %sub3A_107 : i32
      %select_n3A_109 = arith.select %and3A_106, %sub3A_108, %div3A_87 : i32
      %while3A = arith.constant 0 : i32
      %while3A_110 = arith.subi %select_n3A_109, %select_n3A : i32
      %while3A_111 = arith.addi %select_n3A, %while3A_110 : i32
      %while3A_112 = arith.constant 1 : i32
      %while3A_113 = arith.divsi %while3A_110, %while3A_112 : i32
      %while3A_114 = arith.muli %while3A_113, %while3A_112 : i32
      %while3A_115 = arith.addi %select_n3A, %while3A_114 : i32
      %while3A_116 = arith.constant 1 : i32
      scf.for %while3A_129 = %select_n3A to %while3A_115 step %while3A_116  : i32 {
        %dma_start3A_130 = arith.constant 0 : i32
        %dma_start3A_131 = arith.constant 0 : i32
        %dma_start3A_132 = tpu.memref_slice %arg8[%while3A_129, %dma_start3A_130, %dma_start3A_131] : memref<504x117x300xf32, #tpu.memory_space<hbm>> -> memref<1x117x300xf32, #tpu.memory_space<hbm>>
        %dma_start3A_133 = tpu.memref_squeeze %dma_start3A_132 : memref<1x117x300xf32, #tpu.memory_space<hbm>> -> memref<117x300xf32, #tpu.memory_space<hbm>>
        %dma_start3A_134 = arith.constant 0 : i32
        %dma_start3A_135 = arith.constant 0 : i32
        %dma_start3A_136 = tpu.memref_slice %arg8[%while3A_129, %dma_start3A_134, %dma_start3A_135] : memref<504x117x300xf32, #tpu.memory_space<hbm>> -> memref<1x117x300xf32, #tpu.memory_space<hbm>>
        %dma_start3A_137 = tpu.memref_squeeze %dma_start3A_136 : memref<1x117x300xf32, #tpu.memory_space<hbm>> -> memref<117x300xf32, #tpu.memory_space<hbm>>
        tpu.enqueue_dma source(%arg10 : memref<117x300xf32, #tpu.memory_space<vmem>>) target(%dma_start3A_137 : memref<117x300xf32, #tpu.memory_space<hbm>>) target_semaphore(%arg12 : memref<!tpu.dma_semaphore, #tpu.memory_space<semaphore_mem>>)
        %sub3A_138 = arith.subi %while3A_129, %select_n3A : i32
        %ge3A_139 = arith.constant 16 : i32
        %ge3A_140 = arith.cmpi sge, %sub3A_138, %ge3A_139 : i32
        %convert_element_type3A_141 = arith.extui %ge3A_140 : i1 to i32
        %cond3A_142 = arith.constant 0 : i32
        %cond3A_143 = arith.cmpi ne, %convert_element_type3A_141, %cond3A_142 : i32
        scf.if %cond3A_143 {
          %sub3A_144 = arith.constant 16 : i32
          %sub3A_145 = arith.subi %while3A_129, %sub3A_144 : i32
          %dma_wait3A_146 = arith.constant 0 : i32
          %dma_wait3A_147 = arith.constant 0 : i32
          %dma_wait3A_148 = tpu.memref_slice %arg8[%sub3A_145, %dma_wait3A_146, %dma_wait3A_147] : memref<504x117x300xf32, #tpu.memory_space<hbm>> -> memref<1x117x300xf32, #tpu.memory_space<hbm>>
          %dma_wait3A_149 = tpu.memref_squeeze %dma_wait3A_148 : memref<1x117x300xf32, #tpu.memory_space<hbm>> -> memref<117x300xf32, #tpu.memory_space<hbm>>
          %dma_wait3A_150 = arith.constant 0 : i32
          %dma_wait3A_151 = arith.constant 0 : i32
          %dma_wait3A_152 = tpu.memref_slice %arg8[%sub3A_145, %dma_wait3A_150, %dma_wait3A_151] : memref<504x117x300xf32, #tpu.memory_space<hbm>> -> memref<1x117x300xf32, #tpu.memory_space<hbm>>
          %dma_wait3A_153 = tpu.memref_squeeze %dma_wait3A_152 : memref<1x117x300xf32, #tpu.memory_space<hbm>> -> memref<117x300xf32, #tpu.memory_space<hbm>>
          tpu.wait_dma2 semaphore(%arg12 : memref<!tpu.dma_semaphore, #tpu.memory_space<semaphore_mem>>) src(%arg10 : memref<117x300xf32, #tpu.memory_space<vmem>>) dst(%dma_wait3A_153 : memref<117x300xf32, #tpu.memory_space<hbm>>)
        } else {
        }
      }
      %while3A_117 = arith.constant 1 : i32
      scf.for %while3A_129 = %while3A_115 to %while3A_111 step %while3A_117  : i32 {
        %dma_start3A_130 = arith.constant 0 : i32
        %dma_start3A_131 = arith.constant 0 : i32
        %dma_start3A_132 = tpu.memref_slice %arg8[%while3A_129, %dma_start3A_130, %dma_start3A_131] : memref<504x117x300xf32, #tpu.memory_space<hbm>> -> memref<1x117x300xf32, #tpu.memory_space<hbm>>
        %dma_start3A_133 = tpu.memref_squeeze %dma_start3A_132 : memref<1x117x300xf32, #tpu.memory_space<hbm>> -> memref<117x300xf32, #tpu.memory_space<hbm>>
        %dma_start3A_134 = arith.constant 0 : i32
        %dma_start3A_135 = arith.constant 0 : i32
        %dma_start3A_136 = tpu.memref_slice %arg8[%while3A_129, %dma_start3A_134, %dma_start3A_135] : memref<504x117x300xf32, #tpu.memory_space<hbm>> -> memref<1x117x300xf32, #tpu.memory_space<hbm>>
        %dma_start3A_137 = tpu.memref_squeeze %dma_start3A_136 : memref<1x117x300xf32, #tpu.memory_space<hbm>> -> memref<117x300xf32, #tpu.memory_space<hbm>>
        tpu.enqueue_dma source(%arg10 : memref<117x300xf32, #tpu.memory_space<vmem>>) target(%dma_start3A_137 : memref<117x300xf32, #tpu.memory_space<hbm>>) target_semaphore(%arg12 : memref<!tpu.dma_semaphore, #tpu.memory_space<semaphore_mem>>)
        %sub3A_138 = arith.subi %while3A_129, %select_n3A : i32
        %ge3A_139 = arith.constant 16 : i32
        %ge3A_140 = arith.cmpi sge, %sub3A_138, %ge3A_139 : i32
        %convert_element_type3A_141 = arith.extui %ge3A_140 : i1 to i32
        %cond3A_142 = arith.constant 0 : i32
        %cond3A_143 = arith.cmpi ne, %convert_element_type3A_141, %cond3A_142 : i32
        scf.if %cond3A_143 {
          %sub3A_144 = arith.constant 16 : i32
          %sub3A_145 = arith.subi %while3A_129, %sub3A_144 : i32
          %dma_wait3A_146 = arith.constant 0 : i32
          %dma_wait3A_147 = arith.constant 0 : i32
          %dma_wait3A_148 = tpu.memref_slice %arg8[%sub3A_145, %dma_wait3A_146, %dma_wait3A_147] : memref<504x117x300xf32, #tpu.memory_space<hbm>> -> memref<1x117x300xf32, #tpu.memory_space<hbm>>
          %dma_wait3A_149 = tpu.memref_squeeze %dma_wait3A_148 : memref<1x117x300xf32, #tpu.memory_space<hbm>> -> memref<117x300xf32, #tpu.memory_space<hbm>>
          %dma_wait3A_150 = arith.constant 0 : i32
          %dma_wait3A_151 = arith.constant 0 : i32
          %dma_wait3A_152 = tpu.memref_slice %arg8[%sub3A_145, %dma_wait3A_150, %dma_wait3A_151] : memref<504x117x300xf32, #tpu.memory_space<hbm>> -> memref<1x117x300xf32, #tpu.memory_space<hbm>>
          %dma_wait3A_153 = tpu.memref_squeeze %dma_wait3A_152 : memref<1x117x300xf32, #tpu.memory_space<hbm>> -> memref<117x300xf32, #tpu.memory_space<hbm>>
          tpu.wait_dma2 semaphore(%arg12 : memref<!tpu.dma_semaphore, #tpu.memory_space<semaphore_mem>>) src(%arg10 : memref<117x300xf32, #tpu.memory_space<vmem>>) dst(%dma_wait3A_153 : memref<117x300xf32, #tpu.memory_space<hbm>>)
        } else {
        }
      }
      %sub3A_118 = arith.constant 16 : i32
      %sub3A_119 = arith.subi %select_n3A_109, %sub3A_118 : i32
      %max3A = arith.maxsi %select_n3A, %sub3A_119 : i32
      %while3A_120 = arith.constant 0 : i32
      %while3A_121 = arith.subi %select_n3A_109, %max3A : i32
      %while3A_122 = arith.addi %max3A, %while3A_121 : i32
      %while3A_123 = arith.constant 1 : i32
      %while3A_124 = arith.divsi %while3A_121, %while3A_123 : i32
      %while3A_125 = arith.muli %while3A_124, %while3A_123 : i32
      %while3A_126 = arith.addi %max3A, %while3A_125 : i32
      %while3A_127 = arith.constant 1 : i32
      scf.for %while3A_129 = %max3A to %while3A_126 step %while3A_127  : i32 {
        %dma_wait3A_130 = arith.constant 0 : i32
        %dma_wait3A_131 = arith.constant 0 : i32
        %dma_wait3A_132 = tpu.memref_slice %arg8[%while3A_129, %dma_wait3A_130, %dma_wait3A_131] : memref<504x117x300xf32, #tpu.memory_space<hbm>> -> memref<1x117x300xf32, #tpu.memory_space<hbm>>
        %dma_wait3A_133 = tpu.memref_squeeze %dma_wait3A_132 : memref<1x117x300xf32, #tpu.memory_space<hbm>> -> memref<117x300xf32, #tpu.memory_space<hbm>>
        %dma_wait3A_134 = arith.constant 0 : i32
        %dma_wait3A_135 = arith.constant 0 : i32
        %dma_wait3A_136 = tpu.memref_slice %arg8[%while3A_129, %dma_wait3A_134, %dma_wait3A_135] : memref<504x117x300xf32, #tpu.memory_space<hbm>> -> memref<1x117x300xf32, #tpu.memory_space<hbm>>
        %dma_wait3A_137 = tpu.memref_squeeze %dma_wait3A_136 : memref<1x117x300xf32, #tpu.memory_space<hbm>> -> memref<117x300xf32, #tpu.memory_space<hbm>>
        tpu.wait_dma2 semaphore(%arg12 : memref<!tpu.dma_semaphore, #tpu.memory_space<semaphore_mem>>) src(%arg10 : memref<117x300xf32, #tpu.memory_space<vmem>>) dst(%dma_wait3A_137 : memref<117x300xf32, #tpu.memory_space<hbm>>)
      }
      %while3A_128 = arith.constant 1 : i32
      scf.for %while3A_129 = %while3A_126 to %while3A_122 step %while3A_128  : i32 {
        %dma_wait3A_130 = arith.constant 0 : i32
        %dma_wait3A_131 = arith.constant 0 : i32
        %dma_wait3A_132 = tpu.memref_slice %arg8[%while3A_129, %dma_wait3A_130, %dma_wait3A_131] : memref<504x117x300xf32, #tpu.memory_space<hbm>> -> memref<1x117x300xf32, #tpu.memory_space<hbm>>
        %dma_wait3A_133 = tpu.memref_squeeze %dma_wait3A_132 : memref<1x117x300xf32, #tpu.memory_space<hbm>> -> memref<117x300xf32, #tpu.memory_space<hbm>>
        %dma_wait3A_134 = arith.constant 0 : i32
        %dma_wait3A_135 = arith.constant 0 : i32
        %dma_wait3A_136 = tpu.memref_slice %arg8[%while3A_129, %dma_wait3A_134, %dma_wait3A_135] : memref<504x117x300xf32, #tpu.memory_space<hbm>> -> memref<1x117x300xf32, #tpu.memory_space<hbm>>
        %dma_wait3A_137 = tpu.memref_squeeze %dma_wait3A_136 : memref<1x117x300xf32, #tpu.memory_space<hbm>> -> memref<117x300xf32, #tpu.memory_space<hbm>>
        tpu.wait_dma2 semaphore(%arg12 : memref<!tpu.dma_semaphore, #tpu.memory_space<semaphore_mem>>) src(%arg10 : memref<117x300xf32, #tpu.memory_space<vmem>>) dst(%dma_wait3A_137 : memref<117x300xf32, #tpu.memory_space<hbm>>)
      }
    } else {
    }
    %dma_wait3A = arith.constant 0 : i32
    %dma_wait3A_31 = arith.constant 0 : i32
    %dma_wait3A_32 = tpu.memref_slice %arg5[%mul3A_2, %dma_wait3A, %dma_wait3A_31] : memref<64x117x300xf32, #tpu.memory_space<hbm>> -> memref<1x117x300xf32, #tpu.memory_space<hbm>>
    %dma_wait3A_33 = tpu.memref_squeeze %dma_wait3A_32 : memref<1x117x300xf32, #tpu.memory_space<hbm>> -> memref<117x300xf32, #tpu.memory_space<hbm>>
    %dma_wait3A_34 = arith.constant 0 : i32
    %dma_wait3A_35 = arith.constant 0 : i32
    %dma_wait3A_36 = tpu.memref_slice %arg5[%mul3A_2, %dma_wait3A_34, %dma_wait3A_35] : memref<64x117x300xf32, #tpu.memory_space<hbm>> -> memref<1x117x300xf32, #tpu.memory_space<hbm>>
    %dma_wait3A_37 = tpu.memref_squeeze %dma_wait3A_36 : memref<1x117x300xf32, #tpu.memory_space<hbm>> -> memref<117x300xf32, #tpu.memory_space<hbm>>
    tpu.wait_dma2 semaphore(%arg13 : memref<!tpu.dma_semaphore, #tpu.memory_space<semaphore_mem>>) src(%dma_wait3A_37 : memref<117x300xf32, #tpu.memory_space<hbm>>) dst(%arg11 : memref<117x300xf32, #tpu.memory_space<vmem>>)
    %scan3A = arith.constant 0 : i32
    %scan3A_38 = arith.constant 0 : i32
    %scan3A_39 = arith.constant 8 : i32
    %scan3A_40 = arith.addi %scan3A_38, %scan3A_39 : i32
    %scan3A_41 = arith.constant 1 : i32
    scf.for %scan3A_61 = %scan3A_38 to %scan3A_40 step %scan3A_41  : i32 {
      %lt3A_62 = arith.cmpi slt, %mul3A_2, %scan3A_61 : i32
      %sub3A = arith.constant 1 : i32
      %sub3A_63 = arith.subi %mul3A_2, %sub3A : i32
      %select_n3A = arith.select %lt3A_62, %mul3A_2, %sub3A_63 : i32
      %ne3A = arith.cmpi ne, %scan3A_61, %mul3A_2 : i32
      %convert_element_type3A_64 = arith.extui %ne3A : i1 to i32
      %cond3A_65 = arith.constant 0 : i32
      %cond3A_66 = arith.cmpi ne, %convert_element_type3A_64, %cond3A_65 : i32
      scf.if %cond3A_66 {
        %mul3A_67 = arith.constant 63 : i32
        %mul3A_68 = arith.muli %mul3A_67, %scan3A_61 : i32
        %add3A_69 = arith.addi %mul3A_68, %select_n3A : i32
        %dma_start3A_70 = arith.constant 0 : i32
        %dma_start3A_71 = arith.constant 0 : i32
        %dma_start3A_72 = tpu.memref_slice %arg9[%add3A_69, %dma_start3A_70, %dma_start3A_71] : memref<504x117x300xf32, #tpu.memory_space<hbm>> -> memref<1x117x300xf32, #tpu.memory_space<hbm>>
        %dma_start3A_73 = tpu.memref_squeeze %dma_start3A_72 : memref<1x117x300xf32, #tpu.memory_space<hbm>> -> memref<117x300xf32, #tpu.memory_space<hbm>>
        %dma_start3A_74 = arith.constant 0 : i32
        %dma_start3A_75 = arith.constant 0 : i32
        %dma_start3A_76 = tpu.memref_slice %arg9[%add3A_69, %dma_start3A_74, %dma_start3A_75] : memref<504x117x300xf32, #tpu.memory_space<hbm>> -> memref<1x117x300xf32, #tpu.memory_space<hbm>>
        %dma_start3A_77 = tpu.memref_squeeze %dma_start3A_76 : memref<1x117x300xf32, #tpu.memory_space<hbm>> -> memref<117x300xf32, #tpu.memory_space<hbm>>
        tpu.enqueue_dma source(%arg11 : memref<117x300xf32, #tpu.memory_space<vmem>>) target(%dma_start3A_77 : memref<117x300xf32, #tpu.memory_space<hbm>>) target_semaphore(%arg12 : memref<!tpu.dma_semaphore, #tpu.memory_space<semaphore_mem>>)
      } else {
      }
    }
    %scan3A_42 = arith.constant 8 : i32
    %scan3A_43 = arith.constant 0 : i32
    %scan3A_44 = arith.constant 0 : i32
    %scan3A_45 = arith.constant 8 : i32
    %scan3A_46 = arith.addi %scan3A_44, %scan3A_45 : i32
    %scan3A_47 = arith.constant 1 : i32
    scf.for %scan3A_61 = %scan3A_44 to %scan3A_46 step %scan3A_47  : i32 {
      %lt3A_62 = arith.cmpi slt, %mul3A_2, %scan3A_61 : i32
      %sub3A = arith.constant 1 : i32
      %sub3A_63 = arith.subi %mul3A_2, %sub3A : i32
      %select_n3A = arith.select %lt3A_62, %mul3A_2, %sub3A_63 : i32
      %ne3A = arith.cmpi ne, %scan3A_61, %mul3A_2 : i32
      %convert_element_type3A_64 = arith.extui %ne3A : i1 to i32
      %cond3A_65 = arith.constant 0 : i32
      %cond3A_66 = arith.cmpi ne, %convert_element_type3A_64, %cond3A_65 : i32
      scf.if %cond3A_66 {
        %mul3A_67 = arith.constant 63 : i32
        %mul3A_68 = arith.muli %mul3A_67, %scan3A_61 : i32
        %add3A_69 = arith.addi %mul3A_68, %select_n3A : i32
        %dma_wait3A_70 = arith.constant 0 : i32
        %dma_wait3A_71 = arith.constant 0 : i32
        %dma_wait3A_72 = tpu.memref_slice %arg9[%add3A_69, %dma_wait3A_70, %dma_wait3A_71] : memref<504x117x300xf32, #tpu.memory_space<hbm>> -> memref<1x117x300xf32, #tpu.memory_space<hbm>>
        %dma_wait3A_73 = tpu.memref_squeeze %dma_wait3A_72 : memref<1x117x300xf32, #tpu.memory_space<hbm>> -> memref<117x300xf32, #tpu.memory_space<hbm>>
        %dma_wait3A_74 = arith.constant 0 : i32
        %dma_wait3A_75 = arith.constant 0 : i32
        %dma_wait3A_76 = tpu.memref_slice %arg9[%add3A_69, %dma_wait3A_74, %dma_wait3A_75] : memref<504x117x300xf32, #tpu.memory_space<hbm>> -> memref<1x117x300xf32, #tpu.memory_space<hbm>>
        %dma_wait3A_77 = tpu.memref_squeeze %dma_wait3A_76 : memref<1x117x300xf32, #tpu.memory_space<hbm>> -> memref<117x300xf32, #tpu.memory_space<hbm>>
        tpu.wait_dma2 semaphore(%arg12 : memref<!tpu.dma_semaphore, #tpu.memory_space<semaphore_mem>>) src(%arg11 : memref<117x300xf32, #tpu.memory_space<vmem>>) dst(%dma_wait3A_77 : memref<117x300xf32, #tpu.memory_space<hbm>>)
      } else {
      }
    }
    %scan3A_48 = arith.constant 8 : i32
    "tpu.region"() ({
      %run_scoped3A = tpu.sem_alloc : memref<!tpu.dma_semaphore, #tpu.memory_space<semaphore_mem>>
      %dma_start3A_61 = arith.constant 0 : i32
      %dma_start3A_62 = arith.constant 0 : i32
      %dma_start3A_63 = tpu.memref_slice %arg5[%add3A_4, %dma_start3A_61, %dma_start3A_62] : memref<64x117x300xf32, #tpu.memory_space<hbm>> -> memref<1x117x300xf32, #tpu.memory_space<hbm>>
      %dma_start3A_64 = tpu.memref_squeeze %dma_start3A_63 : memref<1x117x300xf32, #tpu.memory_space<hbm>> -> memref<117x300xf32, #tpu.memory_space<hbm>>
      %dma_start3A_65 = arith.constant 0 : i32
      %dma_start3A_66 = arith.constant 0 : i32
      %dma_start3A_67 = tpu.memref_slice %arg5[%add3A_4, %dma_start3A_65, %dma_start3A_66] : memref<64x117x300xf32, #tpu.memory_space<hbm>> -> memref<1x117x300xf32, #tpu.memory_space<hbm>>
      %dma_start3A_68 = tpu.memref_squeeze %dma_start3A_67 : memref<1x117x300xf32, #tpu.memory_space<hbm>> -> memref<117x300xf32, #tpu.memory_space<hbm>>
      tpu.enqueue_dma source(%dma_start3A_68 : memref<117x300xf32, #tpu.memory_space<hbm>>) target(%arg10 : memref<117x300xf32, #tpu.memory_space<vmem>>) target_semaphore(%run_scoped3A : memref<!tpu.dma_semaphore, #tpu.memory_space<semaphore_mem>>)
      %dma_wait3A_69 = arith.constant 0 : i32
      %dma_wait3A_70 = arith.constant 0 : i32
      %dma_wait3A_71 = tpu.memref_slice %arg5[%add3A_4, %dma_wait3A_69, %dma_wait3A_70] : memref<64x117x300xf32, #tpu.memory_space<hbm>> -> memref<1x117x300xf32, #tpu.memory_space<hbm>>
      %dma_wait3A_72 = tpu.memref_squeeze %dma_wait3A_71 : memref<1x117x300xf32, #tpu.memory_space<hbm>> -> memref<117x300xf32, #tpu.memory_space<hbm>>
      %dma_wait3A_73 = arith.constant 0 : i32
      %dma_wait3A_74 = arith.constant 0 : i32
      %dma_wait3A_75 = tpu.memref_slice %arg5[%add3A_4, %dma_wait3A_73, %dma_wait3A_74] : memref<64x117x300xf32, #tpu.memory_space<hbm>> -> memref<1x117x300xf32, #tpu.memory_space<hbm>>
      %dma_wait3A_76 = tpu.memref_squeeze %dma_wait3A_75 : memref<1x117x300xf32, #tpu.memory_space<hbm>> -> memref<117x300xf32, #tpu.memory_space<hbm>>
      tpu.wait_dma2 semaphore(%run_scoped3A : memref<!tpu.dma_semaphore, #tpu.memory_space<semaphore_mem>>) src(%dma_wait3A_76 : memref<117x300xf32, #tpu.memory_space<hbm>>) dst(%arg10 : memref<117x300xf32, #tpu.memory_space<vmem>>)
      tpu.yield
    }) : () -> ()
    %scan3A_49 = arith.constant 0 : i32
    %scan3A_50 = arith.constant 0 : i32
    %scan3A_51 = arith.constant 8 : i32
    %scan3A_52 = arith.addi %scan3A_50, %scan3A_51 : i32
    %scan3A_53 = arith.constant 1 : i32
    scf.for %scan3A_61 = %scan3A_50 to %scan3A_52 step %scan3A_53  : i32 {
      %lt3A_62 = arith.cmpi slt, %add3A_4, %scan3A_61 : i32
      %sub3A = arith.constant 1 : i32
      %sub3A_63 = arith.subi %add3A_4, %sub3A : i32
      %select_n3A = arith.select %lt3A_62, %add3A_4, %sub3A_63 : i32
      %ne3A = arith.cmpi ne, %scan3A_61, %add3A_4 : i32
      %convert_element_type3A_64 = arith.extui %ne3A : i1 to i32
      %cond3A_65 = arith.constant 0 : i32
      %cond3A_66 = arith.cmpi ne, %convert_element_type3A_64, %cond3A_65 : i32
      scf.if %cond3A_66 {
        %mul3A_67 = arith.constant 63 : i32
        %mul3A_68 = arith.muli %mul3A_67, %scan3A_61 : i32
        %add3A_69 = arith.addi %mul3A_68, %select_n3A : i32
        %dma_start3A_70 = arith.constant 0 : i32
        %dma_start3A_71 = arith.constant 0 : i32
        %dma_start3A_72 = tpu.memref_slice %arg9[%add3A_69, %dma_start3A_70, %dma_start3A_71] : memref<504x117x300xf32, #tpu.memory_space<hbm>> -> memref<1x117x300xf32, #tpu.memory_space<hbm>>
        %dma_start3A_73 = tpu.memref_squeeze %dma_start3A_72 : memref<1x117x300xf32, #tpu.memory_space<hbm>> -> memref<117x300xf32, #tpu.memory_space<hbm>>
        %dma_start3A_74 = arith.constant 0 : i32
        %dma_start3A_75 = arith.constant 0 : i32
        %dma_start3A_76 = tpu.memref_slice %arg9[%add3A_69, %dma_start3A_74, %dma_start3A_75] : memref<504x117x300xf32, #tpu.memory_space<hbm>> -> memref<1x117x300xf32, #tpu.memory_space<hbm>>
        %dma_start3A_77 = tpu.memref_squeeze %dma_start3A_76 : memref<1x117x300xf32, #tpu.memory_space<hbm>> -> memref<117x300xf32, #tpu.memory_space<hbm>>
        tpu.enqueue_dma source(%arg10 : memref<117x300xf32, #tpu.memory_space<vmem>>) target(%dma_start3A_77 : memref<117x300xf32, #tpu.memory_space<hbm>>) target_semaphore(%arg12 : memref<!tpu.dma_semaphore, #tpu.memory_space<semaphore_mem>>)
      } else {
      }
    }
    %scan3A_54 = arith.constant 8 : i32
    %scan3A_55 = arith.constant 0 : i32
    %scan3A_56 = arith.constant 0 : i32
    %scan3A_57 = arith.constant 8 : i32
    %scan3A_58 = arith.addi %scan3A_56, %scan3A_57 : i32
    %scan3A_59 = arith.constant 1 : i32
    scf.for %scan3A_61 = %scan3A_56 to %scan3A_58 step %scan3A_59  : i32 {
      %lt3A_62 = arith.cmpi slt, %add3A_4, %scan3A_61 : i32
      %sub3A = arith.constant 1 : i32
      %sub3A_63 = arith.subi %add3A_4, %sub3A : i32
      %select_n3A = arith.select %lt3A_62, %add3A_4, %sub3A_63 : i32
      %ne3A = arith.cmpi ne, %scan3A_61, %add3A_4 : i32
      %convert_element_type3A_64 = arith.extui %ne3A : i1 to i32
      %cond3A_65 = arith.constant 0 : i32
      %cond3A_66 = arith.cmpi ne, %convert_element_type3A_64, %cond3A_65 : i32
      scf.if %cond3A_66 {
        %mul3A_67 = arith.constant 63 : i32
        %mul3A_68 = arith.muli %mul3A_67, %scan3A_61 : i32
        %add3A_69 = arith.addi %mul3A_68, %select_n3A : i32
        %dma_wait3A_70 = arith.constant 0 : i32
        %dma_wait3A_71 = arith.constant 0 : i32
        %dma_wait3A_72 = tpu.memref_slice %arg9[%add3A_69, %dma_wait3A_70, %dma_wait3A_71] : memref<504x117x300xf32, #tpu.memory_space<hbm>> -> memref<1x117x300xf32, #tpu.memory_space<hbm>>
        %dma_wait3A_73 = tpu.memref_squeeze %dma_wait3A_72 : memref<1x117x300xf32, #tpu.memory_space<hbm>> -> memref<117x300xf32, #tpu.memory_space<hbm>>
        %dma_wait3A_74 = arith.constant 0 : i32
        %dma_wait3A_75 = arith.constant 0 : i32
        %dma_wait3A_76 = tpu.memref_slice %arg9[%add3A_69, %dma_wait3A_74, %dma_wait3A_75] : memref<504x117x300xf32, #tpu.memory_space<hbm>> -> memref<1x117x300xf32, #tpu.memory_space<hbm>>
        %dma_wait3A_77 = tpu.memref_squeeze %dma_wait3A_76 : memref<1x117x300xf32, #tpu.memory_space<hbm>> -> memref<117x300xf32, #tpu.memory_space<hbm>>
        tpu.wait_dma2 semaphore(%arg12 : memref<!tpu.dma_semaphore, #tpu.memory_space<semaphore_mem>>) src(%arg10 : memref<117x300xf32, #tpu.memory_space<vmem>>) dst(%dma_wait3A_77 : memref<117x300xf32, #tpu.memory_space<hbm>>)
      } else {
      }
    }
    %scan3A_60 = arith.constant 8 : i32
    return
  }
}

module attributes {stable_mosaic.version = 14 : i64} {
  func.func @_prep_body(%arg0: memref<64x1xi32, #tpu.memory_space<vmem>>, %arg1: memref<80x300xf32, #tpu.memory_space<vmem>>, %arg2: memref<117x300xf32, #tpu.memory_space<vmem>>, %arg3: memref<117x300xf32, #tpu.memory_space<vmem>>, %arg4: memref<504x64xf32, #tpu.memory_space<vmem>>, %arg5: memref<117x300xf32, #tpu.memory_space<vmem>>, %arg6: memref<117x300xf32, #tpu.memory_space<vmem>>, %arg7: memref<117x300xf32, #tpu.memory_space<vmem>>, %arg8: memref<64x117x300xf32, #tpu.memory_space<vmem>>, %arg9: memref<504x117xf32, #tpu.memory_space<vmem>>) attributes {dimension_semantics = [], scalar_prefetch = 0 : i64, scratch_operands = 0 : i64, tpu.core_type = #tpu.core_type<tc>} {
    %iota3A = tpu.iota {dimensions = array<i32: 0>} : vector<64x1xi32>
    %lt3A = arith.constant 8 : i32
    %lt3A_0 = vector.broadcast %lt3A : i32 to vector<64x1xi32>
    %lt3A_1 = arith.cmpi slt, %iota3A, %lt3A_0 : vector<64x1xi32>
    %get3A = arith.constant 0 : index
    %get3A_2 = arith.constant 0 : index
    %get3A_3 = vector.load %arg0[%get3A, %get3A_2] : memref<64x1xi32, #tpu.memory_space<vmem>>, vector<64x1xi32>
    %jit3A = arith.constant 49 : i32
    %broadcast_in_dim3A = vector.broadcast %jit3A : i32 to vector<64x1xi32>
    %select_n3A = arith.select %lt3A_1, %broadcast_in_dim3A, %get3A_3 : vector<64x1xi1>, vector<64x1xi32>
    %iota3A_4 = tpu.iota {dimensions = array<i32: 1>} : vector<64x80xi32>
    %eq3A = vector.broadcast %select_n3A : vector<64x1xi32> to vector<64x80xi32>
    %eq3A_5 = arith.cmpi eq, %eq3A, %iota3A_4 : vector<64x80xi32>
    %convert_element_type3A = arith.extui %eq3A_5 : vector<64x80xi1> to vector<64x80xi32>
    %convert_element_type3A_6 = arith.sitofp %convert_element_type3A : vector<64x80xi32> to vector<64x80xf32>
    %get3A_7 = arith.constant 0 : index
    %get3A_8 = arith.constant 0 : index
    %get3A_9 = vector.load %arg1[%get3A_7, %get3A_8] : memref<80x300xf32, #tpu.memory_space<vmem>>, vector<80x300xf32>
    %dot_general3A = arith.constant dense<0.000000e+00> : vector<64x300xf32>
    %dot_general3A_10 = tpu.matmul %convert_element_type3A_6, %get3A_9, %dot_general3A {dimension_numbers = #tpu.dot_dimension_numbers<[1], [0], [0], [1], [0, 0, 1, 1], [], []>, transpose_lhs_hint = false} : vector<64x80xf32>, vector<80x300xf32>, vector<64x300xf32> -> vector<64x300xf32>
    %mul3A = arith.mulf %dot_general3A_10, %dot_general3A_10 : vector<64x300xf32>
    %reduce_sum3A = arith.constant dense<0.000000e+00> : vector<64xf32>
    %reduce_sum3A_11 = vector.multi_reduction <add>, %mul3A, %reduce_sum3A [1] : vector<64x300xf32> to vector<64xf32>
    %broadcast_in_dim3A_12 = vector.shape_cast %reduce_sum3A_11 : vector<64xf32> to vector<64x1xf32>
    %sqrt3A = math.sqrt %broadcast_in_dim3A_12 : vector<64x1xf32>
    %max3A = arith.constant 9.99999996E-13 : f32
    %max3A_13 = vector.broadcast %max3A : f32 to vector<64x1xf32>
    %max3A_14 = arith.maximumf %sqrt3A, %max3A_13 : vector<64x1xf32>
    %div3A = vector.broadcast %max3A_14 : vector<64x1xf32> to vector<64x300xf32>
    %div3A_15 = arith.divf %dot_general3A_10, %div3A : vector<64x300xf32>
    %slice3A = vector.extract_strided_slice %get3A_9 {offsets = [49, 0], sizes = [1, 300], strides = [1, 1]} : vector<80x300xf32> to vector<1x300xf32>
    %mul3A_16 = arith.mulf %slice3A, %slice3A : vector<1x300xf32>
    %reduce_sum3A_17 = arith.constant dense<0.000000e+00> : vector<1xf32>
    %reduce_sum3A_18 = vector.multi_reduction <add>, %mul3A_16, %reduce_sum3A_17 [1] : vector<1x300xf32> to vector<1xf32>
    %broadcast_in_dim3A_19 = vector.shape_cast %reduce_sum3A_18 : vector<1xf32> to vector<1x1xf32>
    %sqrt3A_20 = math.sqrt %broadcast_in_dim3A_19 : vector<1x1xf32>
    %max3A_21 = arith.constant 9.99999996E-13 : f32
    %max3A_22 = vector.broadcast %max3A_21 : f32 to vector<1x1xf32>
    %max3A_23 = arith.maximumf %sqrt3A_20, %max3A_22 : vector<1x1xf32>
    %div3A_24 = vector.broadcast %max3A_23 : vector<1x1xf32> to vector<1x300xf32>
    %div3A_25 = arith.divf %slice3A, %div3A_24 : vector<1x300xf32>
    %get3A_26 = arith.constant 0 : index
    %get3A_27 = arith.constant 0 : index
    %get3A_28 = vector.load %arg3[%get3A_26, %get3A_27] : memref<117x300xf32, #tpu.memory_space<vmem>>, vector<117x300xf32>
    %mul3A_29 = arith.mulf %get3A_28, %get3A_28 : vector<117x300xf32>
    %reduce_sum3A_30 = arith.constant dense<0.000000e+00> : vector<117xf32>
    %reduce_sum3A_31 = vector.multi_reduction <add>, %mul3A_29, %reduce_sum3A_30 [1] : vector<117x300xf32> to vector<117xf32>
    %broadcast_in_dim3A_32 = vector.shape_cast %reduce_sum3A_31 : vector<117xf32> to vector<117x1xf32>
    %sqrt3A_33 = math.sqrt %broadcast_in_dim3A_32 : vector<117x1xf32>
    %max3A_34 = arith.constant 9.99999996E-13 : f32
    %max3A_35 = vector.broadcast %max3A_34 : f32 to vector<117x1xf32>
    %max3A_36 = arith.maximumf %sqrt3A_33, %max3A_35 : vector<117x1xf32>
    %div3A_37 = vector.broadcast %max3A_36 : vector<117x1xf32> to vector<117x300xf32>
    %div3A_38 = arith.divf %get3A_28, %div3A_37 : vector<117x300xf32>
    %get3A_39 = arith.constant 0 : index
    %get3A_40 = arith.constant 0 : index
    %get3A_41 = vector.load %arg2[%get3A_39, %get3A_40] : memref<117x300xf32, #tpu.memory_space<vmem>>, vector<117x300xf32>
    %mul3A_42 = arith.mulf %get3A_41, %get3A_41 : vector<117x300xf32>
    %reduce_sum3A_43 = arith.constant dense<0.000000e+00> : vector<117xf32>
    %reduce_sum3A_44 = vector.multi_reduction <add>, %mul3A_42, %reduce_sum3A_43 [1] : vector<117x300xf32> to vector<117xf32>
    %broadcast_in_dim3A_45 = vector.shape_cast %reduce_sum3A_44 : vector<117xf32> to vector<117x1xf32>
    %sqrt3A_46 = math.sqrt %broadcast_in_dim3A_45 : vector<117x1xf32>
    %max3A_47 = arith.constant 9.99999996E-13 : f32
    %max3A_48 = vector.broadcast %max3A_47 : f32 to vector<117x1xf32>
    %max3A_49 = arith.maximumf %sqrt3A_46, %max3A_48 : vector<117x1xf32>
    %div3A_50 = vector.broadcast %max3A_49 : vector<117x1xf32> to vector<117x300xf32>
    %div3A_51 = arith.divf %get3A_41, %div3A_50 : vector<117x300xf32>
    %mul3A_52 = vector.broadcast %div3A_25 : vector<1x300xf32> to vector<117x300xf32>
    %mul3A_53 = arith.mulf %mul3A_52, %div3A_38 : vector<117x300xf32>
    %reduce_sum3A_54 = arith.constant dense<0.000000e+00> : vector<117xf32>
    %reduce_sum3A_55 = vector.multi_reduction <add>, %mul3A_53, %reduce_sum3A_54 [1] : vector<117x300xf32> to vector<117xf32>
    %broadcast_in_dim3A_56 = vector.shape_cast %reduce_sum3A_55 : vector<117xf32> to vector<117x1xf32>
    %mul3A_57 = vector.broadcast %broadcast_in_dim3A_56 : vector<117x1xf32> to vector<117x300xf32>
    %mul3A_58 = arith.mulf %mul3A_57, %div3A_38 : vector<117x300xf32>
    %sub3A = vector.broadcast %div3A_25 : vector<1x300xf32> to vector<117x300xf32>
    %sub3A_59 = arith.subf %sub3A, %mul3A_58 : vector<117x300xf32>
    %swap3A = arith.constant 0 : index
    %swap3A_60 = arith.constant 0 : index
    %swap3A_61 = vector.load %arg5[%swap3A, %swap3A_60] : memref<117x300xf32, #tpu.memory_space<vmem>>, vector<117x300xf32>
    tpu.vector_store %arg5[%swap3A, %swap3A_60], %sub3A_59 {strides = array<i32>} : memref<117x300xf32, #tpu.memory_space<vmem>>, vector<117x300xf32>,
    %swap3A_62 = arith.constant 0 : index
    %swap3A_63 = arith.constant 0 : index
    %swap3A_64 = vector.load %arg6[%swap3A_62, %swap3A_63] : memref<117x300xf32, #tpu.memory_space<vmem>>, vector<117x300xf32>
    tpu.vector_store %arg6[%swap3A_62, %swap3A_63], %div3A_51 {strides = array<i32>} : memref<117x300xf32, #tpu.memory_space<vmem>>, vector<117x300xf32>,
    %swap3A_65 = arith.constant 0 : index
    %swap3A_66 = arith.constant 0 : index
    %swap3A_67 = vector.load %arg7[%swap3A_65, %swap3A_66] : memref<117x300xf32, #tpu.memory_space<vmem>>, vector<117x300xf32>
    tpu.vector_store %arg7[%swap3A_65, %swap3A_66], %div3A_38 {strides = array<i32>} : memref<117x300xf32, #tpu.memory_space<vmem>>, vector<117x300xf32>,
    %dot_general3A_68 = arith.constant dense<0.000000e+00> : vector<64x117xf32>
    %dot_general3A_69 = tpu.matmul %div3A_15, %div3A_38, %dot_general3A_68 {dimension_numbers = #tpu.dot_dimension_numbers<[1], [1], [0], [0], [0, 0, 1, 0], [], []>, transpose_lhs_hint = false} : vector<64x300xf32>, vector<117x300xf32>, vector<64x117xf32> -> vector<64x117xf32>
    %broadcast_in_dim3A_70 = vector.shape_cast %div3A_15 : vector<64x300xf32> to vector<64x1x300xf32>
    %broadcast_in_dim3A_71 = vector.shape_cast %dot_general3A_69 : vector<64x117xf32> to vector<64x117x1xf32>
    %broadcast_in_dim3A_72 = vector.shape_cast %div3A_38 : vector<117x300xf32> to vector<1x117x300xf32>
    %mul3A_73 = vector.broadcast %broadcast_in_dim3A_71 : vector<64x117x1xf32> to vector<64x117x300xf32>
    %mul3A_74 = vector.broadcast %broadcast_in_dim3A_72 : vector<1x117x300xf32> to vector<64x117x300xf32>
    %mul3A_75 = arith.mulf %mul3A_73, %mul3A_74 : vector<64x117x300xf32>
    %sub3A_76 = vector.broadcast %broadcast_in_dim3A_70 : vector<64x1x300xf32> to vector<64x117x300xf32>
    %sub3A_77 = arith.subf %sub3A_76, %mul3A_75 : vector<64x117x300xf32>
    %swap3A_78 = arith.constant 0 : index
    %swap3A_79 = arith.constant 0 : index
    %swap3A_80 = arith.constant 0 : index
    %swap3A_81 = vector.load %arg8[%swap3A_78, %swap3A_79, %swap3A_80] : memref<64x117x300xf32, #tpu.memory_space<vmem>>, vector<64x117x300xf32>
    tpu.vector_store %arg8[%swap3A_78, %swap3A_79, %swap3A_80], %sub3A_77 {strides = array<i32>} : memref<64x117x300xf32, #tpu.memory_space<vmem>>, vector<64x117x300xf32>,
    %add3A = arith.addf %sub3A_59, %div3A_51 : vector<117x300xf32>
    %broadcast_in_dim3A_82 = vector.shape_cast %add3A : vector<117x300xf32> to vector<1x117x300xf32>
    %sub3A_83 = vector.broadcast %broadcast_in_dim3A_82 : vector<1x117x300xf32> to vector<64x117x300xf32>
    %sub3A_84 = arith.subf %sub3A_83, %sub3A_77 : vector<64x117x300xf32>
    %mul3A_85 = arith.mulf %sub3A_84, %sub3A_84 : vector<64x117x300xf32>
    %reduce_sum3A_86 = arith.constant dense<0.000000e+00> : vector<64x117xf32>
    %reduce_sum3A_87 = vector.multi_reduction <add>, %mul3A_85, %reduce_sum3A_86 [2] : vector<64x117x300xf32> to vector<64x117xf32>
    %sqrt3A_88 = math.sqrt %reduce_sum3A_87 : vector<64x117xf32>
    %get3A_89 = arith.constant 0 : index
    %get3A_90 = arith.constant 0 : index
    %get3A_91 = vector.load %arg4[%get3A_89, %get3A_90] : memref<504x64xf32, #tpu.memory_space<vmem>>, vector<504x64xf32>
    %dot_general3A_92 = arith.constant dense<0.000000e+00> : vector<504x117xf32>
    %dot_general3A_93 = tpu.matmul %get3A_91, %sqrt3A_88, %dot_general3A_92 {dimension_numbers = #tpu.dot_dimension_numbers<[1], [0], [0], [1], [0, 0, 1, 1], [], []>, transpose_lhs_hint = false} : vector<504x64xf32>, vector<64x117xf32>, vector<504x117xf32> -> vector<504x117xf32>
    %swap3A_94 = arith.constant 0 : index
    %swap3A_95 = arith.constant 0 : index
    %swap3A_96 = vector.load %arg9[%swap3A_94, %swap3A_95] : memref<504x117xf32, #tpu.memory_space<vmem>>, vector<504x117xf32>
    tpu.vector_store %arg9[%swap3A_94, %swap3A_95], %dot_general3A_93 {strides = array<i32>} : memref<504x117xf32, #tpu.memory_space<vmem>>, vector<504x117xf32>,
    return
  }
}

</mosaic_0001>

<sc_bundles>
// kernel: kernel.4.cloned.1.call-start
scs
__scs_entry_jumppad:
0x0: {  	(pc) =	sbr.rel $0x88, $3  }
0x1: {  	(tag) =	ssettag $0x0;
	lr =	simm.s32 $0x1  }
0x2: {  	[smem:$0x3F9D] =	sst lr;
	_ =	strace $0xD0000000  }
0x3: {  	_ = 	snop  }
0x4: {  	_ = 	snop  }
0x5: {  	_ = 	snop  }
0x6: {  	_ = 	snop  }
0x7: {  	_ = 	snop  }
__scs_overlays_trampoline_lowered:
0x8: {  	[smem:$0x3FAC] =	sst s0  }
0x9: {  	[smem:$0x3FAD] =	sst s1  }
0xa: {  	[smem:$0x3FAE] =	sst s2  }
0xb: {  	[smem:$0x3FAF] =	sst s3  }
0xc: {  	[smem:$0x3FB0] =	sst s4  }
0xd: {  	[smem:$0x3FB1] =	sst s5  }
0xe: {  	[smem:$0x3FB2] =	sst s6  }
0xf: {  	[smem:$0x3FB3] =	sst s7  }
0x10: {  	[smem:$0x3FB4] =	sst s8  }
0x11: {  	[smem:$0x3FB5] =	sst s9;
	s0 =	simm.s32 @!p0 $0x0  }
0x12: {  	s1 =	sld [smem:$0x3F9B];
	s0 =	simm.s32 @p0 $0x1  }
0x13: {  	[smem:$0x3FB6] =	sst s0;
	s0 =	simm.s32 @!p1 $0x0  }
0x14: {  	s2 =	sld [smem:$0x3F9A];
	s0 =	simm.s32 @p1 $0x1  }
0x15: {  	[smem:$0x3FB7] =	sst s0;
	s0 =	simm.s32 @!p2 $0x0  }
0x16: {  	s3 =	sld [smem:$0x3FDB];
	s0 =	simm.s32 @p2 $0x1  }
0x17: {  	s4 =	simm.s32 $0x1BF5;
	[smem:$0x3FB9] =	sst s0  }
0x18: {  	s0 =	sld [smem:$0x3F9C];
	_ =	swait.ge [sflag:s4], $0x0  }
0x19: {  	s7 =	sld [smem:$0x3F9D]  }
0x1a: {  	s8 =	sadd.s32 $0xFFFFE003, lr  }
0x1b: {  	s9 =	sadd.s32 $0xFFFFFEF7, lr;
	s5 =	simm.s32 $0xFFFFFFFF;
	p2 =	slt.u32 s8, $0xFFFFF086  }
0x1c: {  	p1 =	slt.u32 s9, $0xF7A;
	s5 =	simm.s32 @!p2 $0x0  }
0x1d: {  	s5 =	simm.s32 @p1 $0x1;
	p0 =	seq.s32 s7, s2  }
0x1e: {  	s7 =	smul.u32 @!p0 $0xF7A, s2;
	p2 =	seq.s32 @!p0 s5, $0x0  }
0x1f: {  	s9 =	smul.u32 $0xF7A, s1;
	s8 =	simm.s32 @!p0 $0x1BF5;
	p2 =	por !p2, p0  }
0x20: {  	[sflag:s8] =	ssyncset.s32 @!p0 $0xFFFFF086;
	s6 =	sadd.s32 @!p0 s3, s7;
	s7 =	simm.s32 @!p0 $0x108  }
0x21: {  	s3 =	sadd.s32 s3, s9;
	s6 =	sadd.s32 @!p0 $0x88, s6;
	s7 =	simm.s32 @p2 $0x1082  }
0x22: {  	[simem:s7], [sflag:s8] =	dma.local @!p0 [hbm:s6], $0xF7A  }
0x23: {  	s9 =	sor.u32 $0xD0000000, s2;
	s6 =	simm.s32 $0x108;
	_ =	swait.ge @!p0 [sflag:s8], $0x0  }
0x24: {  	s3 =	sadd.s32 $0x88, s3;
	s6 =	simm.s32 @!p1 $0x1082;
	[sflag:s4] =	ssyncset.s32 $0xFFFFF086  }
0x25: {  	[simem:s6], [sflag:s4] =	dma.local [hbm:s3], $0xF7A  }
0x26: {  	[smem:$0x3F9D] =	sst s1;
	(tag) =	ssettag s2;
	_ =	strace s9  }
0x27: {  	s1 =	sld [smem:$0x3FAD]  }
0x28: {  	s2 =	sld [smem:$0x3FAE]  }
0x29: {  	s4 =	sld [smem:$0x3FB0]  }
0x2a: {  	p0 =	seq.s32 s5, $0x0;
	s5 =	sld [smem:$0x3FB1]  }
0x2b: {  	s6 =	sld [smem:$0x3FB2]  }
0x2c: {  	s7 =	sld [smem:$0x3FB3]  }
0x2d: {  	s3 =	simm.s32 $0x108;
	s8 =	sld [smem:$0x3FB4]  }
0x2e: {  	s3 =	simm.s32 @!p0 $0x1082;
	s9 =	sld [smem:$0x3FB5]  }
0x2f: {  	lr =	sadd.s32 s0, s3;
	s0 =	sld [smem:$0x3FAC]  }
0x30: {  	s3 =	sld [smem:$0x3FAF]  }
0x31: {  	[smem:$0x3FB8] =	sst s10  }
0x32: {  	s10 =	sld [smem:$0x3FB6];
	_ =	sdelay $0x3  }
0x33: {  	p0 =	seq.s32 s10, $0x1;
	s10 =	sld [smem:$0x3FB8];
	_ =	sdelay $0x3  }
0x34: {  	[smem:$0x3FB8] =	sst s10  }
0x35: {  	s10 =	sld [smem:$0x3FB7];
	_ =	sdelay $0x3  }
0x36: {  	p1 =	seq.s32 s10, $0x1;
	s10 =	sld [smem:$0x3FB8];
	_ =	sdelay $0x3  }
0x37: {  	[smem:$0x3FB8] =	sst s10  }
0x38: {  	s10 =	sld [smem:$0x3FB9]  }
0x39: {  	_ = 	snop;
	(pc) =	sbr.ind lr, $3  }
0x3a: {  	_ = 	snop  }
0x3b: {  	_ = 	snop  }
0x3c: {  	p2 =	seq.s32 s10, $0x1;
	s10 =	sld [smem:$0x3FB8]  }
0x3d: {  	_ =	shalt  }
0x3e: {  	_ =	shalt  }
0x3f: {  	_ =	shalt  }
0x40: {  	_ =	shalt  }
0x41: {  	_ =	shalt  }
0x42: {  	_ =	shalt  }
0x43: {  	_ =	shalt  }
0x44: {  	_ =	shalt  }
0x45: {  	_ =	shalt  }
0x46: {  	_ =	shalt  }
0x47: {  	_ =	shalt  }
0x48: {  	_ =	shalt  }
0x49: {  	_ =	shalt  }
0x4a: {  	_ =	shalt  }
0x4b: {  	_ =	shalt  }
0x4c: {  	_ =	shalt  }
0x4d: {  	_ =	shalt  }
0x4e: {  	_ =	shalt  }
0x4f: {  	_ =	shalt  }
0x50: {  	_ =	shalt  }
0x51: {  	_ =	shalt  }
0x52: {  	_ =	shalt  }
0x53: {  	_ =	shalt  }
0x54: {  	_ =	shalt  }
0x55: {  	_ =	shalt  }
0x56: {  	_ =	shalt  }
0x57: {  	_ =	shalt  }
0x58: {  	_ =	shalt  }
0x59: {  	_ =	shalt  }
0x5a: {  	_ =	shalt  }
0x5b: {  	_ =	shalt  }
0x5c: {  	_ =	shalt  }
0x5d: {  	_ =	shalt  }
0x5e: {  	_ =	shalt  }
0x5f: {  	_ =	shalt  }
0x60: {  	_ =	shalt  }
0x61: {  	_ =	shalt  }
0x62: {  	_ =	shalt  }
0x63: {  	_ =	shalt  }
0x64: {  	_ =	shalt  }
0x65: {  	_ =	shalt  }
0x66: {  	_ =	shalt  }
0x67: {  	_ =	shalt  }
0x68: {  	_ =	shalt  }
0x69: {  	_ =	shalt  }
0x6a: {  	_ =	shalt  }
0x6b: {  	_ =	shalt  }
0x6c: {  	_ =	shalt  }
0x6d: {  	_ =	shalt  }
0x6e: {  	_ =	shalt  }
0x6f: {  	_ =	shalt  }
0x70: {  	_ =	shalt  }
0x71: {  	_ =	shalt  }
0x72: {  	_ =	shalt  }
0x73: {  	_ =	shalt  }
0x74: {  	_ =	shalt  }
0x75: {  	_ =	shalt  }
0x76: {  	_ =	shalt  }
0x77: {  	_ =	shalt  }
0x78: {  	_ =	shalt  }
0x79: {  	_ =	shalt  }
0x7a: {  	_ =	shalt  }
0x7b: {  	_ =	shalt  }
0x7c: {  	_ =	shalt  }
0x7d: {  	_ =	shalt  }
0x7e: {  	_ =	shalt  }
0x7f: {  	_ =	shalt  }
0x80: {  	_ =	shalt  }
0x81: {  	_ =	shalt  }
0x82: {  	_ =	shalt  }
0x83: {  	_ =	shalt  }
0x84: {  	_ =	shalt  }
0x85: {  	_ =	shalt  }
0x86: {  	_ =	shalt  }
0x87: {  	_ =	shalt  }
.Lfunc_end0:
.L_simem_size_0:
called_computation_lowered:
.L_overlay_start_0:
0x88: {  	s2 =	sld [smem:$0x3FD9]  }
0x89: {  	s3 =	sld [smem:$0x3FFE];
	_ =	sdelay $0x1  }
0x8a: {  	s1 =	srdreg.scid  }
0x8b: {  	s0 =	sand.u32 $0x1, s1  }
0x8c: {  	s14 =	sshll.u32 s0, $0xA;
	s2 =	sadd.s32 s3, s2  }
0x8d: {  	s2 =	sadd.s32 s2, s14  }
0x8e: {  	[smem:$0x3FC4] =	sst s2  }
0x8f: {  	_ = 	snop  }
0x90: {  	s2 =	sld [smem:$0x3FD0];
	_ =	sdelay $0x2  }
0x91: {  	s15 =	simm.s32 $0xA;
	s4 =	simm.s32 $0x10  }
0x92: {  	[smem:s4], [sflag:s15] =	dma.local [hbm:s2], $0x1  }
0x93: {  	_ =	swait.eq [sflag:s15], $0x1  }
0x94: {  	s16 =	sld [smem:$0x10]  }
0x95: {  	s17 =	sld [smem:$0x11];
	[sflag:s15] =	ssyncset.done $0x0  }
0x96: {  	s5 =	sld [smem:$0x12];
	[sflag:s15] =	ssyncadd.s32 $0xFFFFFFFF  }
0x97: {  	s18 =	sld [smem:$0x13];
	(tm) =	ssettm $0x1  }
0x98: {  	s6 =	sld [smem:$0x3FFB];
	_ =	sdelay $0x3  }
0x99: {  	_ =	strace s6  }
0x9a: {  	s6 =	sld [smem:$0x3FFC];
	_ =	sdelay $0x3  }
0x9b: {  	_ =	strace s6  }
0x9c: {  	s6 =	sld [smem:$0x3FFD];
	_ =	sdelay $0x3  }
0x9d: {  	_ =	strace s6  }
0x9e: {  	_ =	strace $0x8FFFFFFF  }
0x9f: {  	s19 =	sld [smem:$0x3FDB];
	_ =	sdelay $0x1  }
0xa0: {  	s7 =	simm.s32 $_scs_section_size  }
0xa1: {  	s8 =	simm.s32 $_size__tile_overlayer_lowered;
	s9 =	simm.s32 $_tile_overlayer_lowered  }
0xa2: {  	s22 =	simm.s32 $0x1BFF;
	s21 =	sshll.u32 s9, $0x1;
	s6 =	sadd.s32 s7, s19  }
0xa3: {  	s10 =	simm.s32 $0x0;
	s20 =	sshll.u32 s8, $0x1;
	s8 =	sadd.s32 s21, s6  }
0xa4: {  	[timem:s10], [sflag:s22] =	dma.local [hbm:s8], s20  }
0xa5: {  	_ =	swait.ge [sflag:s22], s20  }
0xa6: {  	s7 =	ssub.s32 $0x0, s20;
	[sflag:s22] =	ssyncset.done $0x0  }
0xa7: {  	[sflag:s22] =	ssyncadd.s32 s7;
	_ =	sdelay $0x1  }
0xa8: {  	s23 =	simm.s32 $0x1B8B  }
0xa9: {  	_ =	swait.ge [sflag:s23], $0x1  }
0xaa: {  	[sflag:s23] =	ssyncset.done $0x0  }
0xab: {  	s25 =	simm.s32 $0x1B8E;
	s24 =	sld [smem:$0x3FFE];
	[sflag:s23] =	ssyncadd.s32 $0xFFFFFFFF  }
0xac: {  	s26 =	simm.s32 $execute0_lowered;
	[smem:$0x3FD2] =	sst s25  }
0xad: {  	s8 =	sshll.u32 s26, $0x1;
	_ =	strace $0x80000046;
	[dreg:$0x1] =	wrdreg $0xFFFFFFFF  }
0xae: {  	s28 =	simm.s32 $_size_execute0_lowered;
	s6 =	sadd.s32 s6, s8;
	[dreg:$0x0] =	wrdreg $0x0  }
0xaf: {  	s8 =	sshll.u32 s28, $0x1;
	[dreg:$0x2] =	wrdreg s6  }
0xb0: {  	[dreg:$0x3] =	wrdreg s8  }
0xb1: {  	[dreg:$0x4] =	wrdreg $0xC0  }
0xb2: {  	_ =	task [dreg:s10], $0x5FFFF  }
0xb3: {  	[dreg:$0x1] =	wrdreg $0xFFFFFFFF  }
0xb4: {  	[dreg:$0x0] =	wrdreg $0x60  }
0xb5: {  	[dreg:$0x2] =	wrdreg s5  }
0xb6: {  	[dreg:$0x3] =	wrdreg s17  }
0xb7: {  	[dreg:$0x4] =	wrdreg s16  }
0xb8: {  	[dreg:$0x5] =	wrdreg s18  }
0xb9: {  	[dreg:$0x6] =	wrdreg s24  }
0xba: {  	[dreg:$0x7] =	wrdreg $0x9  }
0xbb: {  	_ =	task.clear_ibuf [dreg:s10], $0x8FFFF;
	_ =	strace $0x90000046  }
0xbc: {  	s29 =	simm.s32 $0x9;
	_ =	strace $0x80000048  }
0xbd: {  	_ =	swait.ge [sflag:s29], $0x1  }
0xbe: {  	[sflag:s29] =	ssyncadd.s32 $0xFFFFFFFF  }
0xbf: {  	_ =	strace $0x90000048  }
0xc0: {  	_ =	sfence  }
0xc1: {  	s30 =	sld [smem:$0x0];
	_ =	sdelay $0x2  }
0xc2: {  	s31 =	sshll.u32 s1, $0xD;
	s1 =	sshrl.u32 s1, $0x2  }
0xc3: {  	s3 =	sand.u32 $0x4000, s31;
	s1 =	sadd.s32 s1, s30  }
0xc4: {  	s0 =	sor.u32 s3, s0;
	s1 =	sshll.u32 s1, $0x11  }
0xc5: {  	s0 =	sor.u32 s1, s0  }
0xc6: {  	s0 =	sadd.s32 $0x8F2B, s0  }
0xc7: {  	[sflag:s0] =	ssyncadd.remote.s32 $0x1  }
0xc8: {  	_ =	sfence.sel $0xFFFF  }
0xc9: {  	[dreg:$0x0] =	wrdreg $0xFFFFFFFF;
	(pc) =	sbr.abs _section_cstart, $3  }
0xca: {  	[dreg:$0x1] =	wrdreg $0xFFFFFFFF  }
0xcb: {  	_ =	task.clear_ibuf [dreg:s10], $0x2FFFF;
	_ =	strace $0x9FFFFFFF  }
0xcc: {  	(tm) =	ssettm $0x7FFFFFFF  }
0xcd: {  	_ =	shalt  }
tec
execute0_lowered:
.L_overlay_start_1:
0x0: {  	(tag) =	ssettag $0x1  }
0x1: {  	s0 =	srdreg.scid  }
0x2: {  	s10 =	stileid.u32;
	s5 =	rddreg [dreg:$0x3];
	s1 =	sand.u32 $0x1, s0  }
0x3: {  	s2 =	smul.u32 $0x3F0, s10;
	s13 =	sshll.u32 s10, $0x1;
	s0 =	rddreg [dreg:$0x4]  }
0x4: {  	p0 =	slt.u32 s10, $0x6;
	s3 =	smul.u32 $0x1F8, s1;
	s8 =	sor.u32 s1, s13  }
0x5: {  	s1 =	ssub.s32 $0x2, s1;
	s9 =	sadd.s32 $0x84FA00, s0;
	s6 =	smul.u32 $0x1F8, s8  }
0x6: {  	s14 =	sshrl.u32 s1, $0x1;
	s7 =	smul.u32 $0x2D00, s8;
	s12 =	sshll.u32 s8, $0x1  }
0x7: {  	s13 =	sshllo.u32 s8, $0x1;
	p4 =	seq.s32 s8, $0x16;
	p6 =	seq.s32 s8, $0x1  }
0x8: {  	s11 =	sadd.s32 s3, s2;
	s26 =	smul.u32 $0x1680, s13;
	s15 =	sadd.s32 $0xFFFFEA58, s6  }
0x9: {  	s22 =	ssub.s32 s1, s14;
	s18 =	sadd.s32 s5, s7;
	s16 =	smul.u32 $0xFFFF8BA3, s15  }
0xa: {  	s19 =	sshll.u32 s6, $0x10;
	s17 =	sand.u32 $0xFFF8, s15;
	s15 =	smul.u32 $0x3398, s8  }
0xb: {  	s23 =	sadd.s32 $0xFFFFEC50, s6;
	[dreg:$0x6] =	wrdreg s18;
	s18 =	smul.u32 $0x16800, s8  }
0xc: {  	s20 =	sadd.s32 $0xD4B00000, s19;
	s3 =	sand.u32 $0xFFF8, s23;
	s2 =	smul.u32 $0xBA2F, s17  }
0xd: {  	s21 =	sshra.s32 s20, $0x10;
	s3 =	smul.u32 $0xBA2F, s3;
	s20 =	simm.s32 $0x1  }
0xe: {  	s1 =	sand.u32 $0xFFF8, s16;
	s24 =	sadd.s32 $0xFFFFAA88, s15;
	s15 =	simm.s32 $0x1  }
0xf: {  	s18 =	sadd.s32 $0xFFFF4C00, s18;
	p1 =	sgt.u32 s1, $0x1745;
	s14 =	sshrl.u32 s2, $0x13  }
0x10: {  	s2 =	smul.u32 $0x6667, s21;
	s6 =	sand.u32 $0xFFF8, s24;
	s1 =	sadd.s32 $0xD6A80000, s19  }
0x11: {  	s19 =	simm.s32 $0x1;
	s18 =	sshrl.u32 s18, $0x3;
	p0 =	por !p0, !p1  }
0x12: {  	s6 =	sshrl.u32 s6, $0x1;
	s1 =	sshra.s32 s1, $0x10;
	s23 =	sadd.s32 s9, s18  }
0x13: {  	s18 =	smov.u32 s12;
	p0 =	por !p0, !p0;
	s16 =	sshrl.u32 s2, $0x1F  }
0x14: {  	p2 =	sgt.u32 s6, $0x1998;
	s2 =	sshra.s32 s2, $0x12;
	s6 =	simm.s32 $0x1  }
0x15: {  	s17 =	smul.u32 $0x6667, s1;
	s1 =	sshrl.u32 s3, $0x13;
	[dreg:$0x8] =	wrdreg s23  }
0x16: {  	p1 =	por !p4, !p2;
	s15 =	simm.s32 @!p0 $0x0;
	s2 =	sadd.s32 s16, s2  }
0x17: {  	p0 =	sne.s32 s8, $0x0;
	s16 =	simm.s32 $0x1;
	p2 =	seq.s32 s8, $0x0  }
0x18: {  	p4 =	slt.u32 s10, $0xB;
	p1 =	por !p1, !p1;
	s25 =	sshrl.u32 s17, $0x1F  }
0x19: {  	s17 =	sshra.s32 s17, $0x12;
	s4 =	simm.s32 @!p0 $0x0;
	s16 =	simm.s32 @!p0 $0x0  }
0x1a: {  	p5 =	sne.s32 @!p2 s8, $0x1;
	s6 =	simm.s32 @!p1 $0x0;
	s4 =	simm.s32 @p0 $0x1  }
0x1b: {  	s16 =	ssub.s32 s12, s16;
	p0 =	sne.s32 s10, $0x0;
	s3 =	sadd.s32 s25, s17  }
0x1c: {  	p1 =	seq.s32 s8, $0x3;
	s2 =	ssub.s32 s2, s6;
	[smem:$0x7F1] =	sst s4  }
0x1d: {  	s16 =	smul.u32 $0x1680, s16;
	s4 =	simm.s32 @!p0 $0x0;
	s19 =	simm.s32 @!p0 $0x0  }
0x1e: {  	s6 =	sadd.s32 s5, s26;
	s5 =	sadd.s32 $0xB1300, s7;
	s4 =	simm.s32 @p0 $0x1  }
0x1f: {  	p0 =	sgt.u32 s8, $0x2;
	[dreg:$0x7] =	wrdreg s6;
	s6 =	smov.u32 s12  }
0x20: {  	s5 =	simm.s32 @p2 $0xB2980;
	[smem:$0x7F2] =	sst s4;
	s4 =	ssub.s32 s12, s19  }
0x21: {  	s19 =	simm.s32 $0x1;
	s23 =	sadd.s32 s9, s16;
	s16 =	smov.u32 s12  }
0x22: {  	s24 =	sadd.s32 s9, s5;
	s19 =	simm.s32 @!p0 $0x0;
	p0 =	sgt.u32 s10, $0x1  }
0x23: {  	s17 =	smul.u32 $0x1680, s4;
	[dreg:$0x9] =	wrdreg s24;
	s4 =	sadd.s32 $0xFFFFEA58, s11  }
0x24: {  	s24 =	smulhi.u32 $0x1745D175, s11;
	s19 =	ssub.s32 s12, s19;
	s20 =	simm.s32 @!p0 $0x0  }
0x25: {  	p0 =	slt.u32 s13, $0x3;
	s19 =	smul.u32 $0x1680, s19;
	s20 =	ssub.s32 s12, s20  }
0x26: {  	s6 =	smov.u32 @p0 s13;
	p0 =	seq.s32 s10, $0x0;
	s10 =	smul.u32 $0x1680, s24  }
0x27: {  	s25 =	sadd.s32 s9, s17;
	s24 =	smax.u32 s22, $0x1;
	s21 =	smul.u32 $0x1680, s20  }
0x28: {  	s6 =	smul.u32 $0x1680, s6;
	s20 =	sadd.s32 s9, s19;
	s19 =	sadd.s32 $0xFFFFFFF5, s8  }
0x29: {  	s17 =	sadd.s32 s9, s21;
	s21 =	sadd.s32 s9, s7;
	s7 =	smov.u32 s12  }
0x2a: {  	s6 =	sadd.s32 s9, s6;
	s7 =	smov.u32 @p0 s13;
	p0 =	slt.u32 s13, $0x5  }
0x2b: {  	p3 =	sgt.u32 s19, $0xA;
	s16 =	smov.u32 @p0 s13;
	p0 =	slt.u32 s8, $0x3  }
0x2c: {  	s19 =	sadd.s32 $0x58AE00, s0;
	s18 =	smov.u32 @p0 s13;
	p0 =	slt.u32 s13, $0x7  }
0x2d: {  	s26 =	smul.u32 $0x1680, s18;
	s12 =	smov.u32 @p0 s13;
	s13 =	sand.u32 $0xFFF8, s4  }
0x2e: {  	s18 =	smulhi.u32 $0x1745D175, s13;
	s13 =	ssub.s32 s14, s15;
	s14 =	sadd.s32 $0xFFFFFFF0, s1  }
0x2f: {  	s28 =	sadd.s32 $0x213900, s20;
	s12 =	smul.u32 $0x1680, s12;
	p0 =	sgt.s32 s13, s14  }
0x30: {  	s7 =	smul.u32 $0x1680, s7;
	s14 =	smov.u32 @p0 s13;
	p0 =	sge.s32 @!p3 s13, s1  }
0x31: {  	s16 =	smul.u32 $0x1680, s16;
	s4 =	sadd.s32 s9, s12;
	s12 =	simm.s32 @!p0 $0x0  }
0x32: {  	s29 =	sadd.s32 $0x1BAF80, s20;
	s12 =	simm.s32 @p0 $0x1;
	p0 =	sgt.u32 s8, $0xA  }
0x33: {  	s7 =	sadd.s32 s9, s7;
	s31 =	sadd.s32 s9, s16;
	s11 =	simm.s32 @!p0 $0x0  }
0x34: {  	s30 =	sadd.s32 $0x162600, s7;
	s5 =	sadd.s32 s9, s26;
	s11 =	simm.s32 @p0 $0x1  }
0x35: {  	s31 =	sadd.s32 $0x1BAF80, s31;
	[smem:$0x7F3] =	sst s11;
	s11 =	simm.s32 @!p5 $0x0  }
0x36: {  	s9 =	ssub.s32 s18, s15;
	s11 =	simm.s32 @p5 $0x1;
	p5 =	sne.s32 s8, $0x3  }
0x37: {  	s18 =	sadd.s32 $0x2C6200, s0;
	[smem:$0x7FB] =	sst s11;
	s11 =	simm.s32 @!p5 $0x0  }
0x38: {  	[dreg:$0xa] =	wrdreg s14;
	s11 =	simm.s32 @p5 $0x1;
	p5 =	sne.s32 s8, $0x1  }
0x39: {  	s14 =	sadd.s32 s10, s0;
	[smem:$0x7F4] =	sst s11;
	s11 =	simm.s32 @!p5 $0x0  }
0x3a: {  	s10 =	sadd.s32 $0x213900, s5;
	s11 =	simm.s32 @p5 $0x1;
	p5 =	sne.s32 s8, $0x2  }
0x3b: {  	s0 =	simm.s32 @!p3 $0x0;
	[smem:$0x7F5] =	sst s11;
	s11 =	simm.s32 @!p5 $0x0  }
0x3c: {  	s22 =	smul.u32 $0xB400, s9;
	p0 =	seq.s32 s8, $0x2;
	s11 =	simm.s32 @p5 $0x1  }
0x3d: {  	s8 =	smul.u32 $0x2DD1D0, s8;
	[smem:$0x7F6] =	sst s11;
	s11 =	sadd.s32 $0xFFFFFFF0, s3  }
0x3e: {  	[smem:$0x7F8] =	sst s12;
	s12 =	simm.s32 $0x0;
	p5 =	sgt.s32 s2, s11  }
0x3f: {  	[smem:$0x7FF] =	sst s12;
	s26 =	sadd.s32 $0x2DD1D0, s8;
	s11 =	smov.u32 @p5 s2  }
0x40: {  	s0 =	simm.s32 @p3 $0x1;
	s16 =	sshrl.u32 s26, $0x10;
	[dreg:$0xb] =	wrdreg s11  }
0x41: {  	s26 =	sadd.s32 $0x58980, s23;
	_ =	strace $0x80000047;
	[dreg:$0xe] =	wrdreg s24  }
0x42: {  	s11 =	sshrl.u32 s8, $0x10;
	s8 =	sadd.s32 $0x26C280, s4;
	[dreg:$0xf] =	wrdreg s26  }
0x43: {  	s23 =	sadd.s32 $0xB1300, s23;
	s13 =	sadd.s32 $0xFFFFFFF0, s16;
	[dreg:$0x10] =	wrdreg s8  }
0x44: {  	s15 =	smax.u32 s11, s13;
	s13 =	sadd.s32 $0x26C280, s17;
	s17 =	sld [smem:$0x7F8]  }
0x45: {  	s4 =	simm.s32 $0x0;
	s24 =	sadd.s32 $0x162600, s25;
	[smem:$0x7F7] =	sst s0  }
0x46: {  	s25 =	sadd.s32 $0x109C80, s25;
	s26 =	sadd.s32 $0x109C80, s6;
	[dreg:$0xc] =	wrdreg s11  }
0x47: {  	s8 =	sadd.s32 $0xF, s11;
	[dreg:$0x12] =	wrdreg s22;
	p5 =	seq.s32 s17, $0x1  }
0x48: {  	s22 =	smov.u32 s21;
	s20 =	sld [smem:$0x7FB];
	p3 =	por p3, p5  }
0x49: {  	[dreg:$0xd] =	wrdreg s15;
	p5 =	sge.s32 @!p4 s2, s3;
	s0 =	simm.s32 @!p3 $0x0  }
0x4a: {  	s15 =	sadd.s32 $0x1600, s14;
	s0 =	simm.s32 @p3 $0x1;
	p3 =	por p4, p5  }
0x4b: {  	p5 =	seq.s32 s20, $0x1;
	[smem:$0x7F9] =	sst s0;
	s0 =	simm.s32 @!p3 $0x0  }
0x4c: {  	s14 =	smul.u32 $0xB400, s2;
	s0 =	simm.s32 @p3 $0x1;
	p3 =	por p2, p5  }
.Ltmp0:
0x4d: {  	[smem:$0x7FA] =	sst s0;
	s0 =	simm.s32 @!p3 $0x0;
	(pc) =	sbr.rel .LBB2_1-.Ltmp0, $4  }
0x4e: {  	[dreg:$0x11] =	wrdreg s15;
	s0 =	simm.s32 @p3 $0x1;
	p3 =	sge.u32 s11, s16  }
0x4f: {  	s15 =	simm.s32 $0x1;
	[smem:$0x7FC] =	sst s0;
	s0 =	simm.s32 @!p3 $0x0  }
0x50: {  	s17 =	simm.s32 $0xB400;
	s20 =	simm.s32 $0x2;
	s0 =	simm.s32 @p3 $0x1  }
0x51: {  	s11 =	sadd.s32 $0x58980, s21;
	[smem:$0x7FD] =	sst s0;
	s0 =	simm.s32 $0x3  }
.LBB2_32:
0x52: {  	_ =	swait.ge [sflag:s15], $0xB400  }
0x53: {  	[sflag:s15] =	ssyncset.done $0x0  }
0x54: {  	[sflag:s15] =	ssyncadd.s32 $0xFFFF4C00  }
.LBB2_33:
0x55: {  	_ =	swait.ge [sflag:s15], $0xB400  }
0x56: {  	[sflag:s15] =	ssyncset.done $0x0  }
0x57: {  	[sflag:s15] =	ssyncadd.s32 $0xFFFF4C00  }
.LBB2_34:
0x58: {  	s4 =	sadd.s32 $0x1, s4;
	s5 =	rddreg [dreg:$0xe]  }
0x59: {  	p3 =	sne.s32 s4, s5  }
.Ltmp1:
0x5a: {  	_ = 	snop;
	(pc) =	sbr.rel @!p3 .LBB2_35-.Ltmp1, $1  }
0x5b: {  	_ =	sdelay $0x3  }
.LBB2_1:
0x5c: {  	s21 =	sld [smem:$0x7F3];
	_ =	sdelay $0x2  }
0x5d: {  	p3 =	seq.s32 s21, $0x1  }
.Ltmp2:
0x5e: {  	_ = 	snop;
	(pc) =	sbr.rel @p3 .LBB2_8-.Ltmp2, $3  }
0x5f: {  	_ =	sdelay $0x1  }
0x60: {  	s5 =	rddreg [dreg:$0x6]  }
0x61: {  	[tilespmem:s17], [sflag:$0x2] =	stream.linear.gather [hbm4b:s5+s12], $0xB400, $0x38;
	[tilespmem:$0x16800] =	vst v63  }
0x62: {  	s5 =	rddreg [dreg:$0x0]  }
0x63: {  	[tilespmem:s12], [sflag:$0x3] =	stream.linear.gather [hbm4b:s5+s12], $0xB400, $0x38;
	[tilespmem:$0x16800] =	vst v63  }
0x64: {  	_ =	swait.ge [sflag:s0], $0xB400  }
0x65: {  	s21 =	sld [smem:$0x7FD];
	_ =	sdelay $0x2  }
0x66: {  	p3 =	seq.s32 s21, $0x1  }
.Ltmp3:
0x67: {  	_ = 	snop;
	(pc) =	sbr.rel @p3 .LBB2_13-.Ltmp3, $3  }
0x68: {  	_ =	sdelay $0x1  }
0x69: {  	[sflag:s0] =	ssyncset.done $0x0  }
0x6a: {  	[sflag:s0] =	ssyncadd.s32 $0xFFFF4C00  }
0x6b: {  	s5 =	rddreg [dreg:$0xc]  }
0x6c: {  	p5 =	sle.u32 s5, s8;
	s5 =	sadd.s32 $0x1, s5  }
0x6d: {  	p3 =	slt.u32 s5, s16  }
.Ltmp4:
0x6e: {  	s6 =	rddreg [dreg:$0x11];
	(pc) =	sbr.rel @!p3 .LBB2_5-.Ltmp4, $4  }
0x6f: {  	[hbm4b:s6+s12] =	stream.linear.scatter [tilespmem:s12], [sflag:$0x1], $0xB400, $0x38;
	[tilespmem:$0x16800] =	vst v63  }
0x70: {  	s7 =	simm.s32 @!p5 $0x1  }
0x71: {  	_ =	swait.ge @!p5 [sflag:s7], $0xB400  }
0x72: {  	[sflag:s7] =	ssyncset.done @!p5 $0x0  }
.LBB2_4:
0x73: {  	[sflag:s7] =	ssyncadd.s32 @!p5 $0xFFFF4C00  }
0x74: {  	s6 =	sadd.s32 $0x1680, s6;
	s7 =	smov.u32 s5;
	s5 =	sadd.s32 $0x1, s5  }
0x75: {  	p3 =	slt.u32 s5, s16  }
0x76: {  	[hbm4b:s6+s12] =	stream.linear.scatter [tilespmem:s12], [sflag:$0x1], $0xB400, $0x38;
	[tilespmem:$0x16800] =	vst v63  }
.Ltmp5:
0x77: {  	_ = 	snop;
	(pc) =	sbr.rel @p3 .LBB2_4-.Ltmp5, $4  }
0x78: {  	p5 =	sle.u32 s7, s8  }
0x79: {  	s7 =	simm.s32 @!p5 $0x1  }
0x7a: {  	_ =	swait.ge @!p5 [sflag:s7], $0xB400  }
0x7b: {  	[sflag:s7] =	ssyncset.done @!p5 $0x0  }
.LBB2_5:
0x7c: {  	s5 =	rddreg [dreg:$0xd]  }
0x7d: {  	s5 =	sadd.s32 $0x1, s5  }
0x7e: {  	p3 =	slt.u32 s5, s16  }
.Ltmp6:
0x7f: {  	_ = 	snop;
	(pc) =	sbr.rel @!p3 .LBB2_7-.Ltmp6, $4  }
0x80: {  	_ = 	snop  }
0x81: {  	[sflag:s7] =	ssyncadd.s32 @!p5 $0xFFFF4C00  }
0x82: {  	_ =	swait.ge [sflag:s15], $0xB400  }
0x83: {  	[sflag:s15] =	ssyncset.done $0x0  }
.LBB2_6:
0x84: {  	s5 =	sadd.s32 $0x1, s5  }
0x85: {  	[sflag:s15] =	ssyncadd.s32 $0xFFFF4C00;
	p3 =	slt.u32 s5, s16  }
.Ltmp7:
0x86: {  	(pc) =	sbr.rel @p3 .LBB2_6-.Ltmp7, $3  }
0x87: {  	_ =	sdelay $0x1  }
0x88: {  	_ =	swait.ge [sflag:s15], $0xB400  }
0x89: {  	[sflag:s15] =	ssyncset.done $0x0  }
.LBB2_7:
0x8a: {  	[sflag:s15] =	ssyncadd.s32 $0xFFFF4C00  }
.LBB2_8:
0x8b: {  	s5 =	sld [smem:$0x7F7];
	_ =	sdelay $0x2  }
0x8c: {  	p3 =	seq.s32 s5, $0x1  }
0x8d: {  	s6 =	rddreg [dreg:$0x1];
	s5 =	simm.s32 @!p3 $0x0  }
0x8e: {  	[tilespmem:s5], [sflag:$0x3] =	stream.linear.gather @!p3 [hbm4b:s6+s5], $0xB400, $0x38;
	[tilespmem:$0x16800] =	vst v63  }
0x8f: {  	s6 =	simm.s32 @!p3 $0x3  }
0x90: {  	_ =	swait.ge @!p3 [sflag:s6], $0xB400  }
0x91: {  	s7 =	sld [smem:$0x7F9];
	_ =	sdelay $0x1  }
0x92: {  	[sflag:s6] =	ssyncset.done @!p3 $0x0  }
0x93: {  	[sflag:s6] =	ssyncadd.s32 @!p3 $0xFFFF4C00;
	p3 =	seq.s32 s7, $0x1  }
.Ltmp8:
0x94: {  	_ = 	snop;
	(pc) =	sbr.rel @p3 .LBB2_13-.Ltmp8, $2  }
0x95: {  	_ =	sdelay $0x2  }
0x96: {  	s6 =	rddreg [dreg:$0x12]  }
.LBB2_9:
0x97: {  	s7 =	sshrl.u32 s6, $0x3;
	p3 =	slt.u32 s5, $0x10;
	s5 =	sadd.s32 $0x1, s5  }
0x98: {  	s7 =	sadd.s32 s18, s7;
	s21 =	sadd.s32 s5, s9  }
0x99: {  	[hbm4b:s7+s12] =	stream.linear.scatter [tilespmem:s12], [sflag:$0x1], $0xB400, $0x38;
	[tilespmem:$0x16800] =	vst v63  }
0x9a: {  	p5 =	slt.u32 s21, s1  }
.Ltmp9:
0x9b: {  	_ = 	snop;
	(pc) =	sbr.rel @p5 .LBB2_9-.Ltmp9, $4  }
0x9c: {  	s7 =	simm.s32 @!p3 $0x1  }
0x9d: {  	_ =	swait.ge @!p3 [sflag:s7], $0xB400  }
0x9e: {  	[sflag:s7] =	ssyncset.done @!p3 $0x0  }
0x9f: {  	s6 =	sadd.s32 $0xB400, s6;
	[sflag:s7] =	ssyncadd.s32 @!p3 $0xFFFF4C00  }
0xa0: {  	s5 =	rddreg [dreg:$0xa]  }
0xa1: {  	s5 =	sadd.s32 $0x1, s5  }
0xa2: {  	p3 =	slt.u32 s5, s1  }
.Ltmp10:
0xa3: {  	_ = 	snop;
	(pc) =	sbr.rel @!p3 .LBB2_12-.Ltmp10, $3  }
0xa4: {  	_ =	sdelay $0x1  }
0xa5: {  	_ =	swait.ge [sflag:s15], $0xB400  }
0xa6: {  	[sflag:s15] =	ssyncset.done $0x0  }
.LBB2_11:
0xa7: {  	s5 =	sadd.s32 $0x1, s5  }
0xa8: {  	[sflag:s15] =	ssyncadd.s32 $0xFFFF4C00;
	p3 =	slt.u32 s5, s1  }
.Ltmp11:
0xa9: {  	(pc) =	sbr.rel @p3 .LBB2_11-.Ltmp11, $3  }
0xaa: {  	_ =	sdelay $0x1  }
0xab: {  	_ =	swait.ge [sflag:s15], $0xB400  }
0xac: {  	[sflag:s15] =	ssyncset.done $0x0  }
.LBB2_12:
0xad: {  	[sflag:s15] =	ssyncadd.s32 $0xFFFF4C00  }
.LBB2_13:
0xae: {  	s5 =	simm.s32 @!p4 $0x0;
	s6 =	rddreg [dreg:$0x2]  }
0xaf: {  	[tilespmem:s5], [sflag:$0x3] =	stream.linear.gather @!p4 [hbm4b:s6+s5], $0xB400, $0x38;
	[tilespmem:$0x16800] =	vst v63  }
0xb0: {  	s6 =	simm.s32 @!p4 $0x3  }
0xb1: {  	_ =	swait.ge @!p4 [sflag:s6], $0xB400  }
0xb2: {  	s7 =	sld [smem:$0x7FA];
	_ =	sdelay $0x2  }
0xb3: {  	p3 =	seq.s32 s7, $0x1  }
.Ltmp12:
0xb4: {  	_ = 	snop;
	(pc) =	sbr.rel @p3 .LBB2_18-.Ltmp12, $3  }
0xb5: {  	_ =	sdelay $0x1  }
0xb6: {  	[sflag:s6] =	ssyncset.done @!p4 $0x0  }
0xb7: {  	[sflag:s6] =	ssyncadd.s32 @!p4 $0xFFFF4C00;
	s6 =	smov.u32 s14  }
.LBB2_14:
0xb8: {  	s7 =	sshrl.u32 s6, $0x3;
	p3 =	slt.u32 s5, $0x10;
	s5 =	sadd.s32 $0x1, s5  }
0xb9: {  	s7 =	sadd.s32 s19, s7;
	s21 =	sadd.s32 s5, s2  }
0xba: {  	[hbm4b:s7+s12] =	stream.linear.scatter [tilespmem:s12], [sflag:$0x1], $0xB400, $0x38;
	[tilespmem:$0x16800] =	vst v63  }
0xbb: {  	p5 =	slt.s32 s21, s3  }
.Ltmp13:
0xbc: {  	_ = 	snop;
	(pc) =	sbr.rel @p5 .LBB2_14-.Ltmp13, $4  }
0xbd: {  	s7 =	simm.s32 @!p3 $0x1  }
0xbe: {  	_ =	swait.ge @!p3 [sflag:s7], $0xB400  }
0xbf: {  	[sflag:s7] =	ssyncset.done @!p3 $0x0  }
0xc0: {  	s6 =	sadd.s32 $0xB400, s6;
	[sflag:s7] =	ssyncadd.s32 @!p3 $0xFFFF4C00  }
0xc1: {  	s5 =	rddreg [dreg:$0xb]  }
0xc2: {  	s5 =	sadd.s32 $0x1, s5  }
0xc3: {  	p3 =	slt.s32 s5, s3  }
.Ltmp14:
0xc4: {  	_ = 	snop;
	(pc) =	sbr.rel @!p3 .LBB2_17-.Ltmp14, $3  }
0xc5: {  	_ =	sdelay $0x1  }
0xc6: {  	_ =	swait.ge [sflag:s15], $0xB400  }
0xc7: {  	[sflag:s15] =	ssyncset.done $0x0  }
.LBB2_16:
0xc8: {  	s5 =	sadd.s32 $0x1, s5  }
0xc9: {  	[sflag:s15] =	ssyncadd.s32 $0xFFFF4C00;
	p3 =	slt.s32 s5, s3  }
.Ltmp15:
0xca: {  	(pc) =	sbr.rel @p3 .LBB2_16-.Ltmp15, $3  }
0xcb: {  	_ =	sdelay $0x1  }
0xcc: {  	_ =	swait.ge [sflag:s15], $0xB400  }
0xcd: {  	[sflag:s15] =	ssyncset.done $0x0  }
.LBB2_17:
0xce: {  	[sflag:s15] =	ssyncadd.s32 $0xFFFF4C00  }
.LBB2_18:
0xcf: {  	_ =	swait.ge [sflag:s20], $0xB400  }
0xd0: {  	s5 =	simm.s32 @!p2 $0x0;
	[sflag:s20] =	ssyncset.done $0x0  }
0xd1: {  	s6 =	simm.s32 @!p2 $0xB400;
	s7 =	rddreg [dreg:$0x8];
	[sflag:s20] =	ssyncadd.s32 $0xFFFF4C00  }
0xd2: {  	[hbm4b:s7+s5] =	stream.linear.scatter @!p2 [tilespmem:s6], [sflag:$0x1], $0xB400, $0x38;
	[tilespmem:$0x16800] =	vst v63  }
0xd3: {  	s7 =	rddreg [dreg:$0xf]  }
0xd4: {  	[hbm4b:s7+s12] =	stream.linear.scatter [tilespmem:s17], [sflag:$0x1], $0xB400, $0x38;
	[tilespmem:$0x16800] =	vst v63  }
0xd5: {  	s5 =	simm.s32 @!p6 $0x0;
	s6 =	simm.s32 @!p6 $0xB400  }
0xd6: {  	[hbm4b:s23+s5] =	stream.linear.scatter @!p6 [tilespmem:s6], [sflag:$0x1], $0xB400, $0x38;
	[tilespmem:$0x16800] =	vst v63  }
0xd7: {  	_ = 	snop  }
0xd8: {  	[hbm4b:s25+s12] =	stream.linear.scatter [tilespmem:s17], [sflag:$0x1], $0xB400, $0x38;
	[tilespmem:$0x16800] =	vst v63  }
0xd9: {  	s5 =	simm.s32 @!p0 $0x0;
	s6 =	simm.s32 @!p0 $0xB400  }
0xda: {  	[hbm4b:s24+s5] =	stream.linear.scatter @!p0 [tilespmem:s6], [sflag:$0x1], $0xB400, $0x38;
	[tilespmem:$0x16800] =	vst v63  }
0xdb: {  	_ = 	snop  }
0xdc: {  	[hbm4b:s29+s12] =	stream.linear.scatter [tilespmem:s17], [sflag:$0x1], $0xB400, $0x38;
	[tilespmem:$0x16800] =	vst v63  }
0xdd: {  	s5 =	simm.s32 @!p1 $0x0;
	s6 =	simm.s32 @!p1 $0xB400  }
0xde: {  	[hbm4b:s28+s5] =	stream.linear.scatter @!p1 [tilespmem:s6], [sflag:$0x1], $0xB400, $0x38;
	[tilespmem:$0x16800] =	vst v63  }
0xdf: {  	_ = 	snop  }
0xe0: {  	[hbm4b:s13+s12] =	stream.linear.scatter [tilespmem:s17], [sflag:$0x1], $0xB400, $0x38;
	[tilespmem:$0x16800] =	vst v63  }
0xe1: {  	_ =	swait.ge [sflag:s15], $0xB400  }
0xe2: {  	[sflag:s15] =	ssyncset.done $0x0  }
0xe3: {  	s5 =	simm.s32 @!p2 $0x1;
	[sflag:s15] =	ssyncadd.s32 $0xFFFF4C00  }
0xe4: {  	_ =	swait.ge @!p2 [sflag:s5], $0xB400  }
0xe5: {  	s21 =	sld [smem:$0x7FC];
	_ =	sdelay $0x2  }
0xe6: {  	p3 =	seq.s32 s21, $0x1  }
.Ltmp16:
0xe7: {  	_ = 	snop;
	(pc) =	sbr.rel @p3 .LBB2_21-.Ltmp16, $3  }
0xe8: {  	_ =	sdelay $0x1  }
0xe9: {  	[sflag:s5] =	ssyncset.done @!p2 $0x0  }
0xea: {  	[sflag:s5] =	ssyncadd.s32 @!p2 $0xFFFF4C00  }
.Ltmp17:
0xeb: {  	(pc) =	sbr.rel .LBB2_20-.Ltmp17, $4  }
0xec: {  	_ = 	snop  }
0xed: {  	_ =	swait.ge [sflag:s15], $0xB400  }
0xee: {  	[sflag:s15] =	ssyncset.done $0x0  }
0xef: {  	[sflag:s15] =	ssyncadd.s32 $0xFFFF4C00  }
.LBB2_21:
0xf0: {  	_ =	swait.ge [sflag:s15], $0xB400  }
0xf1: {  	[sflag:s15] =	ssyncset.done $0x0  }
0xf2: {  	[sflag:s15] =	ssyncadd.s32 $0xFFFF4C00  }
0xf3: {  	_ =	swait.ge [sflag:s15], $0xB400  }
0xf4: {  	s5 =	sld [smem:$0x7F6];
	_ =	sdelay $0x2  }
0xf5: {  	p3 =	seq.s32 s5, $0x1  }
.Ltmp18:
0xf6: {  	_ = 	snop;
	(pc) =	sbr.rel @p3 .LBB2_20-.Ltmp18, $3  }
0xf7: {  	_ =	sdelay $0x1  }
0xf8: {  	[sflag:s15] =	ssyncset.done $0x0  }
0xf9: {  	[sflag:s15] =	ssyncadd.s32 $0xFFFF4C00  }
.Ltmp19:
0xfa: {  	(pc) =	sbr.rel .LBB2_23-.Ltmp19, $4  }
0xfb: {  	_ = 	snop  }
0xfc: {  	_ =	swait.ge [sflag:s15], $0xB400  }
0xfd: {  	[sflag:s15] =	ssyncset.done $0x0  }
0xfe: {  	[sflag:s15] =	ssyncadd.s32 $0xFFFF4C00  }
.LBB2_20:
0xff: {  	_ =	swait.ge [sflag:s15], $0xB400  }
.Ltmp20:
0x100: {  	[sflag:s15] =	ssyncset.done $0x0;
	(pc) =	sbr.rel @p1 .LBB2_24-.Ltmp20, $4  }
0x101: {  	[sflag:s15] =	ssyncadd.s32 $0xFFFF4C00  }
0x102: {  	_ =	swait.ge [sflag:s15], $0xB400  }
0x103: {  	[sflag:s15] =	ssyncset.done $0x0  }
0x104: {  	[sflag:s15] =	ssyncadd.s32 $0xFFFF4C00  }
.LBB2_23:
0x105: {  	_ =	swait.ge [sflag:s15], $0xB400  }
0x106: {  	[sflag:s15] =	ssyncset.done $0x0  }
0x107: {  	[sflag:s15] =	ssyncadd.s32 $0xFFFF4C00  }
.LBB2_24:
0x108: {  	_ =	swait.ge [sflag:s15], $0xB400  }
0x109: {  	[sflag:s15] =	ssyncset.done $0x0  }
0x10a: {  	s5 =	rddreg [dreg:$0x7];
	[sflag:s15] =	ssyncadd.s32 $0xFFFF4C00  }
0x10b: {  	[tilespmem:s12], [sflag:$0x3] =	stream.linear.gather [hbm4b:s5+s12], $0xB400, $0x38;
	[tilespmem:$0x16800] =	vst v63  }
0x10c: {  	_ =	swait.ge [sflag:s0], $0xB400  }
0x10d: {  	[sflag:s0] =	ssyncset.done $0x0  }
0x10e: {  	[sflag:s0] =	ssyncadd.s32 $0xFFFF4C00  }
0x10f: {  	[hbm4b:s22+s12] =	stream.linear.scatter [tilespmem:s12], [sflag:$0x1], $0xB400, $0x38;
	[tilespmem:$0x16800] =	vst v63  }
0x110: {  	s5 =	simm.s32 @!p2 $0x0;
	s7 =	rddreg [dreg:$0x9]  }
0x111: {  	[hbm4b:s11+s5] =	stream.linear.scatter @!p2 [tilespmem:s5], [sflag:$0x1], $0xB400, $0x38;
	[tilespmem:$0x16800] =	vst v63  }
0x112: {  	s21 =	sld [smem:$0x7F4]  }
0x113: {  	[hbm4b:s7+s12] =	stream.linear.scatter [tilespmem:s12], [sflag:$0x1], $0xB400, $0x38;
	[tilespmem:$0x16800] =	vst v63  }
0x114: {  	s5 =	simm.s32 @!p6 $0x0  }
0x115: {  	[hbm4b:s26+s5] =	stream.linear.scatter @!p6 [tilespmem:s5], [sflag:$0x1], $0xB400, $0x38;
	[tilespmem:$0x16800] =	vst v63  }
0x116: {  	p3 =	seq.s32 s21, $0x1  }
0x117: {  	[hbm4b:s30+s12] =	stream.linear.scatter [tilespmem:s12], [sflag:$0x1], $0xB400, $0x38;
	[tilespmem:$0x16800] =	vst v63  }
.Ltmp21:
0x118: {  	_ = 	snop;
	(pc) =	sbr.rel @p3 .LBB2_29-.Ltmp21, $4  }
0x119: {  	s5 =	simm.s32 @!p0 $0x0  }
0x11a: {  	[hbm4b:s31+s5] =	stream.linear.scatter @!p0 [tilespmem:s5], [sflag:$0x1], $0xB400, $0x38;
	[tilespmem:$0x16800] =	vst v63  }
0x11b: {  	_ = 	snop  }
0x11c: {  	[hbm4b:s10+s12] =	stream.linear.scatter [tilespmem:s12], [sflag:$0x1], $0xB400, $0x38;
	[tilespmem:$0x16800] =	vst v63  }
.Ltmp22:
0x11d: {  	(pc) =	sbr.rel .LBB2_26-.Ltmp22, $4  }
0x11e: {  	_ = 	snop  }
0x11f: {  	_ =	swait.ge [sflag:s15], $0xB400  }
0x120: {  	[sflag:s15] =	ssyncset.done $0x0  }
0x121: {  	[sflag:s15] =	ssyncadd.s32 $0xFFFF4C00  }
.LBB2_29:
0x122: {  	s5 =	rddreg [dreg:$0x10]  }
0x123: {  	[hbm4b:s5+s12] =	stream.linear.scatter [tilespmem:s12], [sflag:$0x1], $0xB400, $0x38;
	[tilespmem:$0x16800] =	vst v63  }
0x124: {  	_ =	swait.ge [sflag:s15], $0xB400  }
0x125: {  	s21 =	sld [smem:$0x7F1];
	_ =	sdelay $0x2  }
0x126: {  	p3 =	seq.s32 s21, $0x1  }
.Ltmp23:
0x127: {  	_ = 	snop;
	(pc) =	sbr.rel @!p3 .LBB2_30-.Ltmp23, $3  }
0x128: {  	_ =	sdelay $0x1  }
0x129: {  	[sflag:s15] =	ssyncset.done $0x0  }
0x12a: {  	[sflag:s15] =	ssyncadd.s32 $0xFFFF4C00  }
.LBB2_26:
0x12b: {  	_ =	swait.ge [sflag:s15], $0xB400  }
0x12c: {  	[sflag:s15] =	ssyncset.done $0x0  }
0x12d: {  	[sflag:s15] =	ssyncadd.s32 $0xFFFF4C00  }
0x12e: {  	_ =	swait.ge [sflag:s15], $0xB400  }
0x12f: {  	s5 =	sld [smem:$0x7F5];
	_ =	sdelay $0x2  }
0x130: {  	p3 =	seq.s32 s5, $0x1  }
.Ltmp24:
0x131: {  	_ = 	snop;
	(pc) =	sbr.rel @p3 .LBB2_31-.Ltmp24, $3  }
0x132: {  	_ =	sdelay $0x1  }
0x133: {  	[sflag:s15] =	ssyncset.done $0x0  }
0x134: {  	[sflag:s15] =	ssyncadd.s32 $0xFFFF4C00  }
.Ltmp25:
0x135: {  	(pc) =	sbr.rel .LBB2_28-.Ltmp25, $4  }
0x136: {  	_ = 	snop  }
0x137: {  	_ =	swait.ge [sflag:s15], $0xB400  }
0x138: {  	[sflag:s15] =	ssyncset.done $0x0  }
0x139: {  	[sflag:s15] =	ssyncadd.s32 $0xFFFF4C00  }
.LBB2_30:
0x13a: {  	_ =	swait.ge [sflag:s15], $0xB400  }
0x13b: {  	[sflag:s15] =	ssyncset.done $0x0  }
0x13c: {  	[sflag:s15] =	ssyncadd.s32 $0xFFFF4C00  }
.LBB2_31:
0x13d: {  	_ =	swait.ge [sflag:s15], $0xB400  }
0x13e: {  	[sflag:s15] =	ssyncset.done $0x0  }
0x13f: {  	[sflag:s15] =	ssyncadd.s32 $0xFFFF4C00  }
0x140: {  	_ =	swait.ge [sflag:s15], $0xB400  }
0x141: {  	s5 =	sld [smem:$0x7F6];
	_ =	sdelay $0x2  }
0x142: {  	p3 =	seq.s32 s5, $0x1  }
.Ltmp26:
0x143: {  	_ = 	snop;
	(pc) =	sbr.rel @!p3 .LBB2_32-.Ltmp26, $3  }
0x144: {  	_ =	sdelay $0x1  }
0x145: {  	[sflag:s15] =	ssyncset.done $0x0  }
0x146: {  	[sflag:s15] =	ssyncadd.s32 $0xFFFF4C00  }
.LBB2_28:
0x147: {  	_ =	swait.ge [sflag:s15], $0xB400  }
.Ltmp27:
0x148: {  	[sflag:s15] =	ssyncset.done $0x0;
	(pc) =	sbr.rel @p1 .LBB2_34-.Ltmp27, $4  }
.Ltmp28:
0x149: {  	[sflag:s15] =	ssyncadd.s32 $0xFFFF4C00;
	(pc) =	sbr.rel @!p1 .LBB2_33-.Ltmp28, $4  }
0x14a: {  	_ =	swait.ge [sflag:s15], $0xB400  }
0x14b: {  	[sflag:s15] =	ssyncset.done $0x0  }
0x14c: {  	[sflag:s15] =	ssyncadd.s32 $0xFFFF4C00  }
0x14d: {  	_ = 	snop  }
.LBB2_35:
0x14e: {  	_ =	sfence.sel $0x180000  }
0x14f: {  	[bflag:$0x0] =	sbarrier.arrive $0xFFFF  }
0x150: {  	_ =	strace $0x90000047  }
0x151: {  	[bflag:$0x2] =	sbarrier.arrive $0xFFFF  }
0x152: {  	s0 =	sld [smem:$0x7F2];
	_ =	sdelay $0x2  }
0x153: {  	p0 =	seq.s32 s0, $0x1;
	s0 =	rddreg [dreg:$0x5]  }
0x154: {  	s0 =	sadd.s32 @!p0 $0x100000, s0  }
0x155: {  	[sflag:s0] =	ssyncadd.tile.s32 @!p0 $0x1;
	_ =	shalt  }
.Lfunc_end2:
_tile_overlayer_lowered:
.L_overlay_start_2:
0x156: {  	(tag) =	ssettag $0x2  }
0x157: {  	s0 =	rddreg [dreg:$0x0];
	s2 =	stileid.u32  }
0x158: {  	s1 =	rddreg [dreg:$0x1];
	p0 =	sne.s32 s2, $0x0  }
0x159: {  	s3 =	rddreg [dreg:$0x2];
	[bflag:$0x3] =	sbarrier.arrive $0xFFFF;
	s2 =	simm.s32 @!p0 $0x1C03  }
0x15a: {  	[timem:s3], [sflag:s2] =	dma.local @!p0 [hbm:s0], s1  }
0x15b: {  	s0 =	simm.s32 @!p0 $0x3  }
0x15c: {  	_ =	swait.ge @!p0 [sflag:s0], s1  }
0x15d: {  	s1 =	ssub.s32 @!p0 $0x0, s1;
	[sflag:s0] =	ssyncset.done @!p0 $0x0  }
0x15e: {  	[sflag:s0] =	ssyncadd.s32 @!p0 s1  }
0x15f: {  	[bflag:$0x3] =	sbarrier.arrive $0xFFFF  }
0x160: {  	_ =	shalt  }

</sc_bundles>
